<compile_context>
chip_gen: v7x
topology: tpu7x:2x2x1
jax: 0.10.2.dev20260603
libtpu: 0.0.44.dev20260713+nightly
codegen_flags: <defaults>
</compile_context>

<pallas_src>
import functools
import math

import jax
import jax.numpy as jnp
from jax import lax
from jax.experimental import pallas as pl
from jax.experimental.pallas import tpu as pltpu
from jax.experimental.pallas import tpu_sc as plsc

N_EXP = 8
TOP_K = 2
N_EMBD = 1024
N_TOK = 2048
CAPACITY = 640
SLOTS = N_EXP * CAPACITY

NC, NS, L = 2, 16, 16
NW = NC * NS
RPT = SLOTS // NW
DCH = 80
TPT = N_TOK // NW
CCH = 32

_BLK = 128
_NBLK = N_TOK // _BLK



def _router_body(x_ref, wg_ref, idxd0_ref, idxd1_ref, idxc0_ref, idxc1_ref,
                 w0_ref, w1_ref):
    x = x_ref[...]
    wg = wg_ref[...]
    logits = lax.dot_general(x, wg, (((1,), (1,)), ((), ())),
                             preferred_element_type=jnp.float32)
    iota_e = lax.broadcasted_iota(jnp.int32, (N_TOK, N_EXP), 1)

    m0 = jnp.max(logits, axis=1, keepdims=True)
    e0 = jnp.min(jnp.where(logits == m0, iota_e, N_EXP), axis=1, keepdims=True)
    oh0 = iota_e == e0
    masked = jnp.where(oh0, -jnp.inf, logits)
    m1 = jnp.max(masked, axis=1, keepdims=True)
    e1 = jnp.min(jnp.where(masked == m1, iota_e, N_EXP), axis=1, keepdims=True)
    oh1 = iota_e == e1

    w0 = 1.0 / (1.0 + jnp.exp(m1 - m0))
    w1 = 1.0 - w0

    bi = lax.broadcasted_iota(jnp.int32, (_BLK, _BLK), 0)
    bj = lax.broadcasted_iota(jnp.int32, (_BLK, _BLK), 1)
    tril = (bi >= bj).astype(jnp.float32)

    def ranks(oh, offset):
        ohf = oh.astype(jnp.float32)
        carry = jnp.zeros((1, N_EXP), jnp.float32)
        blocks = []
        for g in range(_NBLK):
            blk = ohf[g * _BLK:(g + 1) * _BLK, :]
            c = jnp.dot(tril, blk, preferred_element_type=jnp.float32) + carry
            r = jnp.sum(blk * (c + offset), axis=1, keepdims=True)
            blocks.append(r)
            carry = c[_BLK - 1:_BLK, :]
        return jnp.concatenate(blocks, axis=0) - 1.0, carry

    r0f, tot0 = ranks(oh0, jnp.zeros((1, N_EXP), jnp.float32))
    r1f, _ = ranks(oh1, tot0)
    r0 = r0f.astype(jnp.int32)
    r1 = r1f.astype(jnp.int32)

    def emit(e, r, w, idxd_ref, idxc_ref, w_ref):
        valid = r < CAPACITY
        slot = e * CAPACITY + r
        idxd_ref[...] = jnp.where(valid, slot, SLOTS)
        idxc_ref[...] = jnp.where(valid, slot, 0)
        w_ref[...] = jnp.where(valid, w, 0.0)

    emit(e0, r0, w0, idxd0_ref, idxc0_ref, w0_ref)
    emit(e1, r1, w1, idxd1_ref, idxc1_ref, w1_ref)


def _router(xf, w_g):
    i32 = jax.ShapeDtypeStruct((N_TOK, 1), jnp.int32)
    f32 = jax.ShapeDtypeStruct((N_TOK, 1), jnp.float32)
    return pl.pallas_call(
        _router_body,
        out_shape=(i32, i32, i32, i32, f32, f32),
    )(xf, w_g)



def _gelu(h):
    return 0.5 * h * (1.0 + lax.erf(h * (1.0 / math.sqrt(2.0))))


def _mlp_body(x_ref, fc_ref, proj_ref, out_ref):
    f = pl.program_id(1)
    h = jnp.dot(x_ref[0], fc_ref[0], preferred_element_type=jnp.float32)
    h = _gelu(h)
    contrib = jnp.dot(h, proj_ref[0], preferred_element_type=jnp.float32)

    @pl.when(f == 0)
    def _():
        out_ref[0] = contrib

    @pl.when(f != 0)
    def _():
        out_ref[0] = out_ref[0] + contrib


def _mlp(xbuf, c_fc, c_proj):
    fblk = 1024
    nf = 4 * N_EMBD // fblk
    return pl.pallas_call(
        _mlp_body,
        grid=(N_EXP, nf),
        in_specs=[
            pl.BlockSpec((1, CAPACITY, N_EMBD), lambda e, f: (e, 0, 0)),
            pl.BlockSpec((1, N_EMBD, fblk), lambda e, f: (e, 0, f)),
            pl.BlockSpec((1, fblk, N_EMBD), lambda e, f: (e, f, 0)),
        ],
        out_specs=pl.BlockSpec((1, CAPACITY, N_EMBD), lambda e, f: (e, 0, 0)),
        out_shape=jax.ShapeDtypeStruct((N_EXP, CAPACITY, N_EMBD), jnp.float32),
        compiler_params=pltpu.CompilerParams(
            dimension_semantics=("arbitrary", "arbitrary")),
    )(xbuf, c_fc, c_proj)



def _dispatch_body(x_hbm, idx0_hbm, idx1_hbm, xbuf_hbm,
                   i0_v, i1_v, src_v, rows_v, sem):
    wid = lax.axis_index("s") * NC + lax.axis_index("c")
    lo = wid * RPT
    pltpu.sync_copy(idx0_hbm, i0_v)
    pltpu.sync_copy(idx1_hbm, i1_v)

    def init(i, c):
        src_v[pl.ds(i * L, L)] = jnp.zeros((L,), jnp.int32)
        return c

    lax.fori_loop(0, RPT // L, init, 0)
    tok_iota = lax.iota(jnp.int32, L)

    def scan(c, carry):
        base = c * L
        tok = tok_iota + base
        iv0 = i0_v[pl.ds(base, L)]
        plsc.store_scatter(src_v, [iv0 - lo], tok,
                           mask=(iv0 >= lo) & (iv0 < lo + RPT))
        iv1 = i1_v[pl.ds(base, L)]
        plsc.store_scatter(src_v, [iv1 - lo], tok,
                           mask=(iv1 >= lo) & (iv1 < lo + RPT))
        return carry

    lax.fori_loop(0, N_TOK // L, scan, 0)
    for ch in range(RPT // DCH):
        pltpu.async_copy(x_hbm.at[src_v.at[pl.ds(ch * DCH, DCH)]],
                         rows_v, sem).wait()
        pltpu.sync_copy(rows_v, xbuf_hbm.at[pl.ds(lo + ch * DCH, DCH)])


def _dispatch(xf, idx0, idx1):
    return pl.kernel(
        _dispatch_body,
        out_type=jax.ShapeDtypeStruct((SLOTS, N_EMBD), jnp.float32),
        mesh=plsc.VectorSubcoreMesh(core_axis_name="c", subcore_axis_name="s",
                                    num_cores=NC, num_subcores=NS),
        scratch_types=[
            pltpu.VMEM((N_TOK,), jnp.int32),
            pltpu.VMEM((N_TOK,), jnp.int32),
            pltpu.VMEM((RPT,), jnp.int32),
            pltpu.VMEM((DCH, N_EMBD), jnp.float32),
            pltpu.SemaphoreType.DMA,
        ],
        compiler_params=pltpu.CompilerParams(needs_layout_passes=False),
    )(xf, idx0, idx1)



def _combine_body(eo_hbm, idx0_hbm, idx1_hbm, w0_hbm, w1_hbm, out_hbm,
                  i0_v, i1_v, w0_v, w1_v, g0_v, g1_v, ob_v, sem):
    wid = lax.axis_index("s") * NC + lax.axis_index("c")
    t0 = wid * TPT
    pltpu.sync_copy(idx0_hbm.at[pl.ds(t0, TPT)], i0_v)
    pltpu.sync_copy(idx1_hbm.at[pl.ds(t0, TPT)], i1_v)
    pltpu.sync_copy(w0_hbm.at[pl.ds(t0, TPT)], w0_v)
    pltpu.sync_copy(w1_hbm.at[pl.ds(t0, TPT)], w1_v)
    for ch in range(TPT // CCH):
        pltpu.async_copy(eo_hbm.at[i0_v.at[pl.ds(ch * CCH, CCH)]],
                         g0_v, sem).wait()
        pltpu.async_copy(eo_hbm.at[i1_v.at[pl.ds(ch * CCH, CCH)]],
                         g1_v, sem).wait()

        def tbody(t, carry):
            tsplat = jnp.full((L,), ch * CCH + t, jnp.int32)
            w0s = plsc.load_gather(w0_v, [tsplat])
            w1s = plsc.load_gather(w1_v, [tsplat])

            def fbody(fb, c2):
                a = g0_v[t, pl.ds(fb * L, L)]
                b = g1_v[t, pl.ds(fb * L, L)]
                ob_v[t, pl.ds(fb * L, L)] = a * w0s + b * w1s
                return c2

            lax.fori_loop(0, N_EMBD // L, fbody, 0)
            return carry

        lax.fori_loop(0, CCH, tbody, 0)
        pltpu.sync_copy(ob_v, out_hbm.at[pl.ds(t0 + ch * CCH, CCH)])


def _combine(eo, idx0, idx1, w0, w1):
    return pl.kernel(
        _combine_body,
        out_type=jax.ShapeDtypeStruct((N_TOK, N_EMBD), jnp.float32),
        mesh=plsc.VectorSubcoreMesh(core_axis_name="c", subcore_axis_name="s",
                                    num_cores=NC, num_subcores=NS),
        scratch_types=[
            pltpu.VMEM((TPT,), jnp.int32),
            pltpu.VMEM((TPT,), jnp.int32),
            pltpu.VMEM((TPT,), jnp.float32),
            pltpu.VMEM((TPT,), jnp.float32),
            pltpu.VMEM((CCH, N_EMBD), jnp.float32),
            pltpu.VMEM((CCH, N_EMBD), jnp.float32),
            pltpu.VMEM((CCH, N_EMBD), jnp.float32),
            pltpu.SemaphoreType.DMA,
        ],
        compiler_params=pltpu.CompilerParams(needs_layout_passes=False),
    )(eo, idx0, idx1, w0, w1)



def kernel(x, w_g, c_fc, c_proj):
    Bb, Tt, C = x.shape
    xf = x.reshape(N_TOK, N_EMBD)
    idxd0, idxd1, idxc0, idxc1, w0, w1 = _router(xf, w_g)
    xbuf = _dispatch(xf, idxd0.reshape(-1), idxd1.reshape(-1))
    eout = _mlp(xbuf.reshape(N_EXP, CAPACITY, N_EMBD), c_fc, c_proj)
    out = _combine(eout.reshape(SLOTS, N_EMBD),
                   idxc0.reshape(-1), idxc1.reshape(-1),
                   w0.reshape(-1), w1.reshape(-1))
    return out.reshape(Bb, Tt, C)

# --- scband reference (transcript-rebuilt; emitter-appended) ---
"""Pipeline reference for scband-llm-27384711479457 (READ-ONLY COPY).

The authoritative reference and input builder live on the scoring server;
editing this copy changes nothing except your own understanding.
"""

import math
import jax, jax.numpy as jnp
import numpy as np

N_EXP = 8
TOP_K = 2
N_EMBD = 1024
TRAIN_CAPACITY = 1.25
MIN_CAPACITY = 4
B, T = 1, 2048


def get_capacity(num_tokens):
    capacity = math.floor(TOP_K * TRAIN_CAPACITY * num_tokens / N_EXP)
    capacity += capacity % 2
    capacity = max(capacity, MIN_CAPACITY)
    assert capacity > 0
    return int(capacity)


def setup_inputs(seed: int = 0) -> dict:
    key = jax.random.key(seed)
    k1, k2, k3, k4 = jax.random.split(key, 4)
    x = jax.random.normal(k1, (B, T, N_EMBD), dtype=jnp.float32)
    w_g = jax.random.normal(k2, (N_EXP, N_EMBD), dtype=jnp.float32) * 0.02
    c_fc = jax.random.normal(k3, (N_EXP, N_EMBD, 4 * N_EMBD), dtype=jnp.float32) * 0.02
    c_proj = jax.random.normal(k4, (N_EXP, 4 * N_EMBD, N_EMBD), dtype=jnp.float32) * 0.02
    return {"x": x, "w_g": w_g, "c_fc": c_fc, "c_proj": c_proj}


def _moe_forward(x, w_g, c_fc, c_proj):
    Bb, Tt, C = x.shape
    num_tokens = Bb * Tt
    capacity = get_capacity(num_tokens)
    # ---- Router ----
    logits = jnp.einsum('btc,ec->bte', x, w_g)  # nn.Linear(n_embd, n_exp, bias=False)
    top_k_logits, top_k_indices = jax.lax.top_k(logits, TOP_K)  # [B,T,k]
    flat_logits = jnp.full((num_tokens, N_EXP), -jnp.inf, dtype=logits.dtype)
    rows = jnp.arange(num_tokens)[:, None]
    flat_logits = flat_logits.at[rows, top_k_indices.reshape(num_tokens, TOP_K)].set(
        top_k_logits.reshape(num_tokens, TOP_K))
    router_probs = jax.nn.softmax(flat_logits, axis=-1)  # [N, E]
    exp_mask = jax.nn.one_hot(top_k_indices, N_EXP, dtype=jnp.int32)  # [B,T,k,E]
    exp_mask = exp_mask.reshape(num_tokens, TOP_K, N_EXP).transpose(1, 0, 2)  # [k,N,E]
    exp_rank = exp_mask.reshape(TOP_K * num_tokens, N_EXP)
    exp_rank = jnp.cumsum(exp_rank, axis=0) - 1
    exp_rank = exp_rank.reshape(TOP_K, num_tokens, N_EXP)
    exp_mask = exp_mask * (exp_rank < capacity).astype(jnp.int32)  # drop overflow tokens
    used_capacity = jnp.sum(exp_mask, axis=(0, 1))  # [E]
    exp_rank = jnp.sum(exp_mask * exp_rank, axis=-1)  # [k,N] position within expert buffer
    exp_weights = exp_mask.astype(x.dtype) * router_probs[None, :, :]  # [k,N,E]
    exp_rank_sc = jax.nn.one_hot(exp_rank, capacity, dtype=x.dtype)  # [k,N,cap]
    cb_weight = jnp.sum(exp_weights[:, :, :, None] * exp_rank_sc[:, :, None, :], axis=0)  # [N,E,cap]
    sec_mask = (cb_weight != 0.0)
    # ---- MOELayer dispatch ----
    xf = x.reshape(num_tokens, C)
    exp_batches = jnp.einsum('nec,nd->ecd', sec_mask.astype(x.dtype), xf)  # [E,cap,C]
    # ---- MLPExperts (bmm) ----
    h = jnp.einsum('ecd,edf->ecf', exp_batches, c_fc)  # [E,cap,4C]
    h = jax.nn.gelu(h, approximate=False)
    exp_out = jnp.einsum('ecf,efd->ecd', h, c_proj)  # [E,cap,C]
    # ---- combine ----
    exp_weight = cb_weight.reshape(num_tokens, -1)  # [N, E*cap]
    exp_out = exp_out.reshape(-1, C)  # [E*cap, C]
    output = exp_weight @ exp_out  # [N, C]
    return output.reshape(Bb, Tt, C)


def reference(x, w_g, c_fc, c_proj):
    return _moe_forward(x, w_g, c_fc, c_proj)

if __name__ == "__main__":
    import jax
    _d = setup_inputs()
    print(jax.jit(kernel)(*tuple(_d.values())))

</pallas_src>

<mosaic_0001>
#map = affine_map<(d0, d1) -> (0, 0)>
#map1 = affine_map<(d0, d1) -> (0)>
module attributes {stable_mosaic.version = 14 : i64} {
  func.func @_dispatch_body(%arg0: i32, %arg1: i32, %arg2: memref<2048x1024xf32, #tpu.memory_space<hbm>>, %arg3: memref<2048xi32, #tpu.memory_space<hbm>>, %arg4: memref<2048xi32, #tpu.memory_space<hbm>>, %arg5: memref<5120x1024xf32, #tpu.memory_space<hbm>>, %arg6: memref<2048xi32, #tpu.memory_space<vmem>>, %arg7: memref<2048xi32, #tpu.memory_space<vmem>>, %arg8: memref<160xi32, #tpu.memory_space<vmem>>, %arg9: memref<80x1024xf32, #tpu.memory_space<vmem>>, %arg10: memref<!tpu.dma_semaphore, #tpu.memory_space<semaphore_mem>>) attributes {dimension_semantics = [#tpu.dimension_semantics<core_parallel>, #tpu.dimension_semantics<subcore_parallel>], iteration_bounds = array<i64: 2, 16>, scalar_prefetch = 0 : i64, scratch_operands = 5 : i64, tpu.core_type = #tpu.core_type<sc_vector_subcore>, window_params = [{transform_indices = #map}, {transform_indices = #map1}, {transform_indices = #map1}, {transform_indices = #map}]} {
    %mul3A = arith.constant 2 : i32
    %mul3A_0 = arith.muli %arg1, %mul3A : i32
    %add3A = arith.addi %mul3A_0, %arg0 : i32
    %mul3A_1 = arith.constant 160 : i32
    %mul3A_2 = arith.muli %add3A, %mul3A_1 : i32
    "tpu.region"() ({
      %run_scoped3A = tpu.sem_alloc : memref<!tpu.dma_semaphore, #tpu.memory_space<semaphore_mem>>
      tpu.enqueue_dma source(%arg3 : memref<2048xi32, #tpu.memory_space<hbm>>) target(%arg6 : memref<2048xi32, #tpu.memory_space<vmem>>) target_semaphore(%run_scoped3A : memref<!tpu.dma_semaphore, #tpu.memory_space<semaphore_mem>>)
      tpu.wait_dma2 semaphore(%run_scoped3A : memref<!tpu.dma_semaphore, #tpu.memory_space<semaphore_mem>>) src(%arg3 : memref<2048xi32, #tpu.memory_space<hbm>>) dst(%arg6 : memref<2048xi32, #tpu.memory_space<vmem>>)
      tpu.yield
    }) : () -> ()
    "tpu.region"() ({
      %run_scoped3A = tpu.sem_alloc : memref<!tpu.dma_semaphore, #tpu.memory_space<semaphore_mem>>
      tpu.enqueue_dma source(%arg4 : memref<2048xi32, #tpu.memory_space<hbm>>) target(%arg7 : memref<2048xi32, #tpu.memory_space<vmem>>) target_semaphore(%run_scoped3A : memref<!tpu.dma_semaphore, #tpu.memory_space<semaphore_mem>>)
      tpu.wait_dma2 semaphore(%run_scoped3A : memref<!tpu.dma_semaphore, #tpu.memory_space<semaphore_mem>>) src(%arg4 : memref<2048xi32, #tpu.memory_space<hbm>>) dst(%arg7 : memref<2048xi32, #tpu.memory_space<vmem>>)
      tpu.yield
    }) : () -> ()
    %scan3A = arith.constant 0 : i32
    %scan3A_3 = arith.constant 0 : i32
    %scan3A_4 = arith.constant 10 : i32
    %scan3A_5 = arith.addi %scan3A_3, %scan3A_4 : i32
    %scan3A_6 = arith.constant 1 : i32
    scf.for %scan3A_36 = %scan3A_3 to %scan3A_5 step %scan3A_6  : i32 {
      %broadcast_in_dim3A = arith.constant 0 : i32
      %broadcast_in_dim3A_37 = vector.broadcast %broadcast_in_dim3A : i32 to vector<16xi32>
      %mul3A_38 = arith.constant 16 : i32
      %mul3A_39 = arith.muli %scan3A_36, %mul3A_38 : i32
      %swap3A = arith.index_cast %mul3A_39 : i32 to index
      %swap3A_40 = tpu.vector_load %arg8[%swap3A] {strides = array<i32>} : memref<160xi32, #tpu.memory_space<vmem>>, vector<16xi32>,
      tpu.vector_store %arg8[%swap3A], %broadcast_in_dim3A_37 {strides = array<i32>} : memref<160xi32, #tpu.memory_space<vmem>>, vector<16xi32>,
    }
    %scan3A_7 = arith.constant 10 : i32
    %iota3A = tpu.iota {dimensions = array<i32: 0>} : vector<16xi32>
    %scan3A_8 = arith.constant 0 : i32
    %scan3A_9 = arith.constant 0 : i32
    %scan3A_10 = arith.constant 128 : i32
    %scan3A_11 = arith.addi %scan3A_9, %scan3A_10 : i32
    %scan3A_12 = arith.constant 1 : i32
    scf.for %scan3A_36 = %scan3A_9 to %scan3A_11 step %scan3A_12  : i32 {
      %mul3A_37 = arith.constant 16 : i32
      %mul3A_38 = arith.muli %scan3A_36, %mul3A_37 : i32
      %add3A_39 = vector.broadcast %mul3A_38 : i32 to vector<16xi32>
      %add3A_40 = arith.addi %iota3A, %add3A_39 : vector<16xi32>
      %get3A = arith.index_cast %mul3A_38 : i32 to index
      %get3A_41 = tpu.vector_load %arg6[%get3A] {strides = array<i32>} : memref<2048xi32, #tpu.memory_space<vmem>>, vector<16xi32>,
      %sub3A = vector.broadcast %mul3A_2 : i32 to vector<16xi32>
      %sub3A_42 = arith.subi %get3A_41, %sub3A : vector<16xi32>
      %ge3A = vector.broadcast %mul3A_2 : i32 to vector<16xi32>
      %ge3A_43 = arith.cmpi sge, %get3A_41, %ge3A : vector<16xi32>
      %add3A_44 = arith.constant 160 : i32
      %add3A_45 = arith.addi %mul3A_2, %add3A_44 : i32
      %lt3A = vector.broadcast %add3A_45 : i32 to vector<16xi32>
      %lt3A_46 = arith.cmpi slt, %get3A_41, %lt3A : vector<16xi32>
      %and3A = arith.andi %ge3A_43, %lt3A_46 : vector<16xi1>
      tpu.vector_store_idx %arg8[%sub3A_42], %add3A_40 masked %and3A : memref<160xi32, #tpu.memory_space<vmem>>[vector<16xi32>], vector<16xi32>, vector<16xi1>
      %get3A_47 = arith.index_cast %mul3A_38 : i32 to index
      %get3A_48 = tpu.vector_load %arg7[%get3A_47] {strides = array<i32>} : memref<2048xi32, #tpu.memory_space<vmem>>, vector<16xi32>,
      %sub3A_49 = vector.broadcast %mul3A_2 : i32 to vector<16xi32>
      %sub3A_50 = arith.subi %get3A_48, %sub3A_49 : vector<16xi32>
      %ge3A_51 = vector.broadcast %mul3A_2 : i32 to vector<16xi32>
      %ge3A_52 = arith.cmpi sge, %get3A_48, %ge3A_51 : vector<16xi32>
      %add3A_53 = arith.constant 160 : i32
      %add3A_54 = arith.addi %mul3A_2, %add3A_53 : i32
      %lt3A_55 = vector.broadcast %add3A_54 : i32 to vector<16xi32>
      %lt3A_56 = arith.cmpi slt, %get3A_48, %lt3A_55 : vector<16xi32>
      %and3A_57 = arith.andi %ge3A_52, %lt3A_56 : vector<16xi1>
      tpu.vector_store_idx %arg8[%sub3A_50], %add3A_40 masked %and3A_57 : memref<160xi32, #tpu.memory_space<vmem>>[vector<16xi32>], vector<16xi32>, vector<16xi1>
    }
    %scan3A_13 = arith.constant 128 : i32
    %dma_start3A = arith.constant 0 : i32
    %dma_start3A_14 = tpu.memref_slice %arg8[%dma_start3A] : memref<160xi32, #tpu.memory_space<vmem>> -> memref<80xi32, #tpu.memory_space<vmem>>
    %dma_start3A_15 = arith.constant 0 : i32
    %dma_start3A_16 = arith.constant 0 : i32
    %dma_start3A_17 = tpu.memref_slice %arg2[%dma_start3A_15, %dma_start3A_16] : memref<2048x1024xf32, #tpu.memory_space<hbm>> -> memref<2048x1024xf32, #tpu.memory_space<hbm>>
    tpu.enqueue_indirect_dma source(%dma_start3A_17 : memref<2048x1024xf32, #tpu.memory_space<hbm>>) target(%arg9 : memref<80x1024xf32, #tpu.memory_space<vmem>>) offsets(%dma_start3A_14 : memref<80xi32, #tpu.memory_space<vmem>>) semaphore(%arg10 : memref<!tpu.dma_semaphore, #tpu.memory_space<semaphore_mem>>)
    %dma_wait3A = arith.constant 0 : i32
    %dma_wait3A_18 = tpu.memref_slice %arg8[%dma_wait3A] : memref<160xi32, #tpu.memory_space<vmem>> -> memref<80xi32, #tpu.memory_space<vmem>>
    %dma_wait3A_19 = arith.constant 0 : i32
    %dma_wait3A_20 = arith.constant 0 : i32
    %dma_wait3A_21 = tpu.memref_slice %arg2[%dma_wait3A_19, %dma_wait3A_20] : memref<2048x1024xf32, #tpu.memory_space<hbm>> -> memref<2048x1024xf32, #tpu.memory_space<hbm>>
    tpu.wait_indirect_dma semaphore(%arg10 : memref<!tpu.dma_semaphore, #tpu.memory_space<semaphore_mem>>) src(%dma_wait3A_21 : memref<2048x1024xf32, #tpu.memory_space<hbm>>) dst(%arg9 : memref<80x1024xf32, #tpu.memory_space<vmem>>)
    %add3A_22 = arith.constant 0 : i32
    %add3A_23 = arith.addi %mul3A_2, %add3A_22 : i32
    "tpu.region"() ({
      %run_scoped3A = tpu.sem_alloc : memref<!tpu.dma_semaphore, #tpu.memory_space<semaphore_mem>>
      %dma_start3A_36 = arith.constant 0 : i32
      %dma_start3A_37 = tpu.memref_slice %arg5[%add3A_23, %dma_start3A_36] : memref<5120x1024xf32, #tpu.memory_space<hbm>> -> memref<80x1024xf32, #tpu.memory_space<hbm>>
      %dma_start3A_38 = arith.constant 0 : i32
      %dma_start3A_39 = tpu.memref_slice %arg5[%add3A_23, %dma_start3A_38] : memref<5120x1024xf32, #tpu.memory_space<hbm>> -> memref<80x1024xf32, #tpu.memory_space<hbm>>
      tpu.enqueue_dma source(%arg9 : memref<80x1024xf32, #tpu.memory_space<vmem>>) target(%dma_start3A_39 : memref<80x1024xf32, #tpu.memory_space<hbm>>) target_semaphore(%run_scoped3A : memref<!tpu.dma_semaphore, #tpu.memory_space<semaphore_mem>>)
      %dma_wait3A_40 = arith.constant 0 : i32
      %dma_wait3A_41 = tpu.memref_slice %arg5[%add3A_23, %dma_wait3A_40] : memref<5120x1024xf32, #tpu.memory_space<hbm>> -> memref<80x1024xf32, #tpu.memory_space<hbm>>
      %dma_wait3A_42 = arith.constant 0 : i32
      %dma_wait3A_43 = tpu.memref_slice %arg5[%add3A_23, %dma_wait3A_42] : memref<5120x1024xf32, #tpu.memory_space<hbm>> -> memref<80x1024xf32, #tpu.memory_space<hbm>>
      tpu.wait_dma2 semaphore(%run_scoped3A : memref<!tpu.dma_semaphore, #tpu.memory_space<semaphore_mem>>) src(%arg9 : memref<80x1024xf32, #tpu.memory_space<vmem>>) dst(%dma_wait3A_43 : memref<80x1024xf32, #tpu.memory_space<hbm>>)
      tpu.yield
    }) : () -> ()
    %dma_start3A_24 = arith.constant 80 : i32
    %dma_start3A_25 = tpu.memref_slice %arg8[%dma_start3A_24] : memref<160xi32, #tpu.memory_space<vmem>> -> memref<80xi32, #tpu.memory_space<vmem>>
    %dma_start3A_26 = arith.constant 0 : i32
    %dma_start3A_27 = arith.constant 0 : i32
    %dma_start3A_28 = tpu.memref_slice %arg2[%dma_start3A_26, %dma_start3A_27] : memref<2048x1024xf32, #tpu.memory_space<hbm>> -> memref<2048x1024xf32, #tpu.memory_space<hbm>>
    tpu.enqueue_indirect_dma source(%dma_start3A_28 : memref<2048x1024xf32, #tpu.memory_space<hbm>>) target(%arg9 : memref<80x1024xf32, #tpu.memory_space<vmem>>) offsets(%dma_start3A_25 : memref<80xi32, #tpu.memory_space<vmem>>) semaphore(%arg10 : memref<!tpu.dma_semaphore, #tpu.memory_space<semaphore_mem>>)
    %dma_wait3A_29 = arith.constant 80 : i32
    %dma_wait3A_30 = tpu.memref_slice %arg8[%dma_wait3A_29] : memref<160xi32, #tpu.memory_space<vmem>> -> memref<80xi32, #tpu.memory_space<vmem>>
    %dma_wait3A_31 = arith.constant 0 : i32
    %dma_wait3A_32 = arith.constant 0 : i32
    %dma_wait3A_33 = tpu.memref_slice %arg2[%dma_wait3A_31, %dma_wait3A_32] : memref<2048x1024xf32, #tpu.memory_space<hbm>> -> memref<2048x1024xf32, #tpu.memory_space<hbm>>
    tpu.wait_indirect_dma semaphore(%arg10 : memref<!tpu.dma_semaphore, #tpu.memory_space<semaphore_mem>>) src(%dma_wait3A_33 : memref<2048x1024xf32, #tpu.memory_space<hbm>>) dst(%arg9 : memref<80x1024xf32, #tpu.memory_space<vmem>>)
    %add3A_34 = arith.constant 80 : i32
    %add3A_35 = arith.addi %mul3A_2, %add3A_34 : i32
    "tpu.region"() ({
      %run_scoped3A = tpu.sem_alloc : memref<!tpu.dma_semaphore, #tpu.memory_space<semaphore_mem>>
      %dma_start3A_36 = arith.constant 0 : i32
      %dma_start3A_37 = tpu.memref_slice %arg5[%add3A_35, %dma_start3A_36] : memref<5120x1024xf32, #tpu.memory_space<hbm>> -> memref<80x1024xf32, #tpu.memory_space<hbm>>
      %dma_start3A_38 = arith.constant 0 : i32
      %dma_start3A_39 = tpu.memref_slice %arg5[%add3A_35, %dma_start3A_38] : memref<5120x1024xf32, #tpu.memory_space<hbm>> -> memref<80x1024xf32, #tpu.memory_space<hbm>>
      tpu.enqueue_dma source(%arg9 : memref<80x1024xf32, #tpu.memory_space<vmem>>) target(%dma_start3A_39 : memref<80x1024xf32, #tpu.memory_space<hbm>>) target_semaphore(%run_scoped3A : memref<!tpu.dma_semaphore, #tpu.memory_space<semaphore_mem>>)
      %dma_wait3A_40 = arith.constant 0 : i32
      %dma_wait3A_41 = tpu.memref_slice %arg5[%add3A_35, %dma_wait3A_40] : memref<5120x1024xf32, #tpu.memory_space<hbm>> -> memref<80x1024xf32, #tpu.memory_space<hbm>>
      %dma_wait3A_42 = arith.constant 0 : i32
      %dma_wait3A_43 = tpu.memref_slice %arg5[%add3A_35, %dma_wait3A_42] : memref<5120x1024xf32, #tpu.memory_space<hbm>> -> memref<80x1024xf32, #tpu.memory_space<hbm>>
      tpu.wait_dma2 semaphore(%run_scoped3A : memref<!tpu.dma_semaphore, #tpu.memory_space<semaphore_mem>>) src(%arg9 : memref<80x1024xf32, #tpu.memory_space<vmem>>) dst(%dma_wait3A_43 : memref<80x1024xf32, #tpu.memory_space<hbm>>)
      tpu.yield
    }) : () -> ()
    return
  }
}

#map = affine_map<(d0, d1) -> (0, 0)>
#map1 = affine_map<(d0, d1) -> (0)>
module attributes {stable_mosaic.version = 14 : i64} {
  func.func @_combine_body(%arg0: i32, %arg1: i32, %arg2: memref<5120x1024xf32, #tpu.memory_space<hbm>>, %arg3: memref<2048xi32, #tpu.memory_space<hbm>>, %arg4: memref<2048xi32, #tpu.memory_space<hbm>>, %arg5: memref<2048xf32, #tpu.memory_space<hbm>>, %arg6: memref<2048xf32, #tpu.memory_space<hbm>>, %arg7: memref<2048x1024xf32, #tpu.memory_space<hbm>>, %arg8: memref<64xi32, #tpu.memory_space<vmem>>, %arg9: memref<64xi32, #tpu.memory_space<vmem>>, %arg10: memref<64xf32, #tpu.memory_space<vmem>>, %arg11: memref<64xf32, #tpu.memory_space<vmem>>, %arg12: memref<32x1024xf32, #tpu.memory_space<vmem>>, %arg13: memref<32x1024xf32, #tpu.memory_space<vmem>>, %arg14: memref<32x1024xf32, #tpu.memory_space<vmem>>, %arg15: memref<!tpu.dma_semaphore, #tpu.memory_space<semaphore_mem>>) attributes {dimension_semantics = [#tpu.dimension_semantics<core_parallel>, #tpu.dimension_semantics<subcore_parallel>], iteration_bounds = array<i64: 2, 16>, scalar_prefetch = 0 : i64, scratch_operands = 8 : i64, tpu.core_type = #tpu.core_type<sc_vector_subcore>, window_params = [{transform_indices = #map}, {transform_indices = #map1}, {transform_indices = #map1}, {transform_indices = #map1}, {transform_indices = #map1}, {transform_indices = #map}]} {
    %mul3A = arith.constant 2 : i32
    %mul3A_0 = arith.muli %arg1, %mul3A : i32
    %add3A = arith.addi %mul3A_0, %arg0 : i32
    %mul3A_1 = arith.constant 64 : i32
    %mul3A_2 = arith.muli %add3A, %mul3A_1 : i32
    "tpu.region"() ({
      %run_scoped3A = tpu.sem_alloc : memref<!tpu.dma_semaphore, #tpu.memory_space<semaphore_mem>>
      %dma_start3A_56 = tpu.memref_slice %arg3[%mul3A_2] : memref<2048xi32, #tpu.memory_space<hbm>> -> memref<64xi32, #tpu.memory_space<hbm>>
      %dma_start3A_57 = tpu.memref_slice %arg3[%mul3A_2] : memref<2048xi32, #tpu.memory_space<hbm>> -> memref<64xi32, #tpu.memory_space<hbm>>
      tpu.enqueue_dma source(%dma_start3A_57 : memref<64xi32, #tpu.memory_space<hbm>>) target(%arg8 : memref<64xi32, #tpu.memory_space<vmem>>) target_semaphore(%run_scoped3A : memref<!tpu.dma_semaphore, #tpu.memory_space<semaphore_mem>>)
      %dma_wait3A_58 = tpu.memref_slice %arg3[%mul3A_2] : memref<2048xi32, #tpu.memory_space<hbm>> -> memref<64xi32, #tpu.memory_space<hbm>>
      %dma_wait3A_59 = tpu.memref_slice %arg3[%mul3A_2] : memref<2048xi32, #tpu.memory_space<hbm>> -> memref<64xi32, #tpu.memory_space<hbm>>
      tpu.wait_dma2 semaphore(%run_scoped3A : memref<!tpu.dma_semaphore, #tpu.memory_space<semaphore_mem>>) src(%dma_wait3A_59 : memref<64xi32, #tpu.memory_space<hbm>>) dst(%arg8 : memref<64xi32, #tpu.memory_space<vmem>>)
      tpu.yield
    }) : () -> ()
    "tpu.region"() ({
      %run_scoped3A = tpu.sem_alloc : memref<!tpu.dma_semaphore, #tpu.memory_space<semaphore_mem>>
      %dma_start3A_56 = tpu.memref_slice %arg4[%mul3A_2] : memref<2048xi32, #tpu.memory_space<hbm>> -> memref<64xi32, #tpu.memory_space<hbm>>
      %dma_start3A_57 = tpu.memref_slice %arg4[%mul3A_2] : memref<2048xi32, #tpu.memory_space<hbm>> -> memref<64xi32, #tpu.memory_space<hbm>>
      tpu.enqueue_dma source(%dma_start3A_57 : memref<64xi32, #tpu.memory_space<hbm>>) target(%arg9 : memref<64xi32, #tpu.memory_space<vmem>>) target_semaphore(%run_scoped3A : memref<!tpu.dma_semaphore, #tpu.memory_space<semaphore_mem>>)
      %dma_wait3A_58 = tpu.memref_slice %arg4[%mul3A_2] : memref<2048xi32, #tpu.memory_space<hbm>> -> memref<64xi32, #tpu.memory_space<hbm>>
      %dma_wait3A_59 = tpu.memref_slice %arg4[%mul3A_2] : memref<2048xi32, #tpu.memory_space<hbm>> -> memref<64xi32, #tpu.memory_space<hbm>>
      tpu.wait_dma2 semaphore(%run_scoped3A : memref<!tpu.dma_semaphore, #tpu.memory_space<semaphore_mem>>) src(%dma_wait3A_59 : memref<64xi32, #tpu.memory_space<hbm>>) dst(%arg9 : memref<64xi32, #tpu.memory_space<vmem>>)
      tpu.yield
    }) : () -> ()
    "tpu.region"() ({
      %run_scoped3A = tpu.sem_alloc : memref<!tpu.dma_semaphore, #tpu.memory_space<semaphore_mem>>
      %dma_start3A_56 = tpu.memref_slice %arg5[%mul3A_2] : memref<2048xf32, #tpu.memory_space<hbm>> -> memref<64xf32, #tpu.memory_space<hbm>>
      %dma_start3A_57 = tpu.memref_slice %arg5[%mul3A_2] : memref<2048xf32, #tpu.memory_space<hbm>> -> memref<64xf32, #tpu.memory_space<hbm>>
      tpu.enqueue_dma source(%dma_start3A_57 : memref<64xf32, #tpu.memory_space<hbm>>) target(%arg10 : memref<64xf32, #tpu.memory_space<vmem>>) target_semaphore(%run_scoped3A : memref<!tpu.dma_semaphore, #tpu.memory_space<semaphore_mem>>)
      %dma_wait3A_58 = tpu.memref_slice %arg5[%mul3A_2] : memref<2048xf32, #tpu.memory_space<hbm>> -> memref<64xf32, #tpu.memory_space<hbm>>
      %dma_wait3A_59 = tpu.memref_slice %arg5[%mul3A_2] : memref<2048xf32, #tpu.memory_space<hbm>> -> memref<64xf32, #tpu.memory_space<hbm>>
      tpu.wait_dma2 semaphore(%run_scoped3A : memref<!tpu.dma_semaphore, #tpu.memory_space<semaphore_mem>>) src(%dma_wait3A_59 : memref<64xf32, #tpu.memory_space<hbm>>) dst(%arg10 : memref<64xf32, #tpu.memory_space<vmem>>)
      tpu.yield
    }) : () -> ()
    "tpu.region"() ({
      %run_scoped3A = tpu.sem_alloc : memref<!tpu.dma_semaphore, #tpu.memory_space<semaphore_mem>>
      %dma_start3A_56 = tpu.memref_slice %arg6[%mul3A_2] : memref<2048xf32, #tpu.memory_space<hbm>> -> memref<64xf32, #tpu.memory_space<hbm>>
      %dma_start3A_57 = tpu.memref_slice %arg6[%mul3A_2] : memref<2048xf32, #tpu.memory_space<hbm>> -> memref<64xf32, #tpu.memory_space<hbm>>
      tpu.enqueue_dma source(%dma_start3A_57 : memref<64xf32, #tpu.memory_space<hbm>>) target(%arg11 : memref<64xf32, #tpu.memory_space<vmem>>) target_semaphore(%run_scoped3A : memref<!tpu.dma_semaphore, #tpu.memory_space<semaphore_mem>>)
      %dma_wait3A_58 = tpu.memref_slice %arg6[%mul3A_2] : memref<2048xf32, #tpu.memory_space<hbm>> -> memref<64xf32, #tpu.memory_space<hbm>>
      %dma_wait3A_59 = tpu.memref_slice %arg6[%mul3A_2] : memref<2048xf32, #tpu.memory_space<hbm>> -> memref<64xf32, #tpu.memory_space<hbm>>
      tpu.wait_dma2 semaphore(%run_scoped3A : memref<!tpu.dma_semaphore, #tpu.memory_space<semaphore_mem>>) src(%dma_wait3A_59 : memref<64xf32, #tpu.memory_space<hbm>>) dst(%arg11 : memref<64xf32, #tpu.memory_space<vmem>>)
      tpu.yield
    }) : () -> ()
    %dma_start3A = arith.constant 0 : i32
    %dma_start3A_3 = tpu.memref_slice %arg8[%dma_start3A] : memref<64xi32, #tpu.memory_space<vmem>> -> memref<32xi32, #tpu.memory_space<vmem>>
    %dma_start3A_4 = arith.constant 0 : i32
    %dma_start3A_5 = arith.constant 0 : i32
    %dma_start3A_6 = tpu.memref_slice %arg2[%dma_start3A_4, %dma_start3A_5] : memref<5120x1024xf32, #tpu.memory_space<hbm>> -> memref<5120x1024xf32, #tpu.memory_space<hbm>>
    tpu.enqueue_indirect_dma source(%dma_start3A_6 : memref<5120x1024xf32, #tpu.memory_space<hbm>>) target(%arg12 : memref<32x1024xf32, #tpu.memory_space<vmem>>) offsets(%dma_start3A_3 : memref<32xi32, #tpu.memory_space<vmem>>) semaphore(%arg15 : memref<!tpu.dma_semaphore, #tpu.memory_space<semaphore_mem>>)
    %dma_wait3A = arith.constant 0 : i32
    %dma_wait3A_7 = tpu.memref_slice %arg8[%dma_wait3A] : memref<64xi32, #tpu.memory_space<vmem>> -> memref<32xi32, #tpu.memory_space<vmem>>
    %dma_wait3A_8 = arith.constant 0 : i32
    %dma_wait3A_9 = arith.constant 0 : i32
    %dma_wait3A_10 = tpu.memref_slice %arg2[%dma_wait3A_8, %dma_wait3A_9] : memref<5120x1024xf32, #tpu.memory_space<hbm>> -> memref<5120x1024xf32, #tpu.memory_space<hbm>>
    tpu.wait_indirect_dma semaphore(%arg15 : memref<!tpu.dma_semaphore, #tpu.memory_space<semaphore_mem>>) src(%dma_wait3A_10 : memref<5120x1024xf32, #tpu.memory_space<hbm>>) dst(%arg12 : memref<32x1024xf32, #tpu.memory_space<vmem>>)
    %dma_start3A_11 = arith.constant 0 : i32
    %dma_start3A_12 = tpu.memref_slice %arg9[%dma_start3A_11] : memref<64xi32, #tpu.memory_space<vmem>> -> memref<32xi32, #tpu.memory_space<vmem>>
    %dma_start3A_13 = arith.constant 0 : i32
    %dma_start3A_14 = arith.constant 0 : i32
    %dma_start3A_15 = tpu.memref_slice %arg2[%dma_start3A_13, %dma_start3A_14] : memref<5120x1024xf32, #tpu.memory_space<hbm>> -> memref<5120x1024xf32, #tpu.memory_space<hbm>>
    tpu.enqueue_indirect_dma source(%dma_start3A_15 : memref<5120x1024xf32, #tpu.memory_space<hbm>>) target(%arg13 : memref<32x1024xf32, #tpu.memory_space<vmem>>) offsets(%dma_start3A_12 : memref<32xi32, #tpu.memory_space<vmem>>) semaphore(%arg15 : memref<!tpu.dma_semaphore, #tpu.memory_space<semaphore_mem>>)
    %dma_wait3A_16 = arith.constant 0 : i32
    %dma_wait3A_17 = tpu.memref_slice %arg9[%dma_wait3A_16] : memref<64xi32, #tpu.memory_space<vmem>> -> memref<32xi32, #tpu.memory_space<vmem>>
    %dma_wait3A_18 = arith.constant 0 : i32
    %dma_wait3A_19 = arith.constant 0 : i32
    %dma_wait3A_20 = tpu.memref_slice %arg2[%dma_wait3A_18, %dma_wait3A_19] : memref<5120x1024xf32, #tpu.memory_space<hbm>> -> memref<5120x1024xf32, #tpu.memory_space<hbm>>
    tpu.wait_indirect_dma semaphore(%arg15 : memref<!tpu.dma_semaphore, #tpu.memory_space<semaphore_mem>>) src(%dma_wait3A_20 : memref<5120x1024xf32, #tpu.memory_space<hbm>>) dst(%arg13 : memref<32x1024xf32, #tpu.memory_space<vmem>>)
    %scan3A = arith.constant 0 : i32
    %scan3A_21 = arith.constant 0 : i32
    %scan3A_22 = arith.constant 32 : i32
    %scan3A_23 = arith.addi %scan3A_21, %scan3A_22 : i32
    %scan3A_24 = arith.constant 1 : i32
    scf.for %scan3A_56 = %scan3A_21 to %scan3A_23 step %scan3A_24  : i32 {
      %add3A_57 = arith.constant 0 : i32
      %add3A_58 = arith.addi %add3A_57, %scan3A_56 : i32
      %broadcast_in_dim3A = vector.broadcast %add3A_58 : i32 to vector<16xi32>
      %gather3A = tpu.vector_load_idx %arg10[%broadcast_in_dim3A] : memref<64xf32, #tpu.memory_space<vmem>>[vector<16xi32>], vector<16xf32>,
      %gather3A_59 = tpu.vector_load_idx %arg11[%broadcast_in_dim3A] : memref<64xf32, #tpu.memory_space<vmem>>[vector<16xi32>], vector<16xf32>,
      %scan3A_60 = arith.constant 0 : i32
      %scan3A_61 = arith.constant 0 : i32
      %scan3A_62 = arith.constant 64 : i32
      %scan3A_63 = arith.addi %scan3A_61, %scan3A_62 : i32
      %scan3A_64 = arith.constant 1 : i32
      scf.for %scan3A_66 = %scan3A_61 to %scan3A_63 step %scan3A_64  : i32 {
        %mul3A_67 = arith.constant 16 : i32
        %mul3A_68 = arith.muli %scan3A_66, %mul3A_67 : i32
        %get3A = arith.index_cast %scan3A_56 : i32 to index
        %get3A_69 = arith.index_cast %mul3A_68 : i32 to index
        %get3A_70 = tpu.vector_load %arg12[%get3A, %get3A_69] {strides = array<i32>} : memref<32x1024xf32, #tpu.memory_space<vmem>>, vector<16xf32>,
        %mul3A_71 = arith.constant 16 : i32
        %mul3A_72 = arith.muli %scan3A_66, %mul3A_71 : i32
        %get3A_73 = arith.index_cast %scan3A_56 : i32 to index
        %get3A_74 = arith.index_cast %mul3A_72 : i32 to index
        %get3A_75 = tpu.vector_load %arg13[%get3A_73, %get3A_74] {strides = array<i32>} : memref<32x1024xf32, #tpu.memory_space<vmem>>, vector<16xf32>,
        %mul3A_76 = arith.mulf %get3A_70, %gather3A : vector<16xf32>
        %mul3A_77 = arith.mulf %get3A_75, %gather3A_59 : vector<16xf32>
        %add3A_78 = arith.addf %mul3A_76, %mul3A_77 : vector<16xf32>
        %mul3A_79 = arith.constant 16 : i32
        %mul3A_80 = arith.muli %scan3A_66, %mul3A_79 : i32
        %swap3A = arith.index_cast %scan3A_56 : i32 to index
        %swap3A_81 = arith.index_cast %mul3A_80 : i32 to index
        %swap3A_82 = tpu.vector_load %arg14[%swap3A, %swap3A_81] {strides = array<i32>} : memref<32x1024xf32, #tpu.memory_space<vmem>>, vector<16xf32>,
        tpu.vector_store %arg14[%swap3A, %swap3A_81], %add3A_78 {strides = array<i32>} : memref<32x1024xf32, #tpu.memory_space<vmem>>, vector<16xf32>,
      }
      %scan3A_65 = arith.constant 64 : i32
    }
    %scan3A_25 = arith.constant 32 : i32
    %add3A_26 = arith.constant 0 : i32
    %add3A_27 = arith.addi %mul3A_2, %add3A_26 : i32
    "tpu.region"() ({
      %run_scoped3A = tpu.sem_alloc : memref<!tpu.dma_semaphore, #tpu.memory_space<semaphore_mem>>
      %dma_start3A_56 = arith.constant 0 : i32
      %dma_start3A_57 = tpu.memref_slice %arg7[%add3A_27, %dma_start3A_56] : memref<2048x1024xf32, #tpu.memory_space<hbm>> -> memref<32x1024xf32, #tpu.memory_space<hbm>>
      %dma_start3A_58 = arith.constant 0 : i32
      %dma_start3A_59 = tpu.memref_slice %arg7[%add3A_27, %dma_start3A_58] : memref<2048x1024xf32, #tpu.memory_space<hbm>> -> memref<32x1024xf32, #tpu.memory_space<hbm>>
      tpu.enqueue_dma source(%arg14 : memref<32x1024xf32, #tpu.memory_space<vmem>>) target(%dma_start3A_59 : memref<32x1024xf32, #tpu.memory_space<hbm>>) target_semaphore(%run_scoped3A : memref<!tpu.dma_semaphore, #tpu.memory_space<semaphore_mem>>)
      %dma_wait3A_60 = arith.constant 0 : i32
      %dma_wait3A_61 = tpu.memref_slice %arg7[%add3A_27, %dma_wait3A_60] : memref<2048x1024xf32, #tpu.memory_space<hbm>> -> memref<32x1024xf32, #tpu.memory_space<hbm>>
      %dma_wait3A_62 = arith.constant 0 : i32
      %dma_wait3A_63 = tpu.memref_slice %arg7[%add3A_27, %dma_wait3A_62] : memref<2048x1024xf32, #tpu.memory_space<hbm>> -> memref<32x1024xf32, #tpu.memory_space<hbm>>
      tpu.wait_dma2 semaphore(%run_scoped3A : memref<!tpu.dma_semaphore, #tpu.memory_space<semaphore_mem>>) src(%arg14 : memref<32x1024xf32, #tpu.memory_space<vmem>>) dst(%dma_wait3A_63 : memref<32x1024xf32, #tpu.memory_space<hbm>>)
      tpu.yield
    }) : () -> ()
    %dma_start3A_28 = arith.constant 32 : i32
    %dma_start3A_29 = tpu.memref_slice %arg8[%dma_start3A_28] : memref<64xi32, #tpu.memory_space<vmem>> -> memref<32xi32, #tpu.memory_space<vmem>>
    %dma_start3A_30 = arith.constant 0 : i32
    %dma_start3A_31 = arith.constant 0 : i32
    %dma_start3A_32 = tpu.memref_slice %arg2[%dma_start3A_30, %dma_start3A_31] : memref<5120x1024xf32, #tpu.memory_space<hbm>> -> memref<5120x1024xf32, #tpu.memory_space<hbm>>
    tpu.enqueue_indirect_dma source(%dma_start3A_32 : memref<5120x1024xf32, #tpu.memory_space<hbm>>) target(%arg12 : memref<32x1024xf32, #tpu.memory_space<vmem>>) offsets(%dma_start3A_29 : memref<32xi32, #tpu.memory_space<vmem>>) semaphore(%arg15 : memref<!tpu.dma_semaphore, #tpu.memory_space<semaphore_mem>>)
    %dma_wait3A_33 = arith.constant 32 : i32
    %dma_wait3A_34 = tpu.memref_slice %arg8[%dma_wait3A_33] : memref<64xi32, #tpu.memory_space<vmem>> -> memref<32xi32, #tpu.memory_space<vmem>>
    %dma_wait3A_35 = arith.constant 0 : i32
    %dma_wait3A_36 = arith.constant 0 : i32
    %dma_wait3A_37 = tpu.memref_slice %arg2[%dma_wait3A_35, %dma_wait3A_36] : memref<5120x1024xf32, #tpu.memory_space<hbm>> -> memref<5120x1024xf32, #tpu.memory_space<hbm>>
    tpu.wait_indirect_dma semaphore(%arg15 : memref<!tpu.dma_semaphore, #tpu.memory_space<semaphore_mem>>) src(%dma_wait3A_37 : memref<5120x1024xf32, #tpu.memory_space<hbm>>) dst(%arg12 : memref<32x1024xf32, #tpu.memory_space<vmem>>)
    %dma_start3A_38 = arith.constant 32 : i32
    %dma_start3A_39 = tpu.memref_slice %arg9[%dma_start3A_38] : memref<64xi32, #tpu.memory_space<vmem>> -> memref<32xi32, #tpu.memory_space<vmem>>
    %dma_start3A_40 = arith.constant 0 : i32
    %dma_start3A_41 = arith.constant 0 : i32
    %dma_start3A_42 = tpu.memref_slice %arg2[%dma_start3A_40, %dma_start3A_41] : memref<5120x1024xf32, #tpu.memory_space<hbm>> -> memref<5120x1024xf32, #tpu.memory_space<hbm>>
    tpu.enqueue_indirect_dma source(%dma_start3A_42 : memref<5120x1024xf32, #tpu.memory_space<hbm>>) target(%arg13 : memref<32x1024xf32, #tpu.memory_space<vmem>>) offsets(%dma_start3A_39 : memref<32xi32, #tpu.memory_space<vmem>>) semaphore(%arg15 : memref<!tpu.dma_semaphore, #tpu.memory_space<semaphore_mem>>)
    %dma_wait3A_43 = arith.constant 32 : i32
    %dma_wait3A_44 = tpu.memref_slice %arg9[%dma_wait3A_43] : memref<64xi32, #tpu.memory_space<vmem>> -> memref<32xi32, #tpu.memory_space<vmem>>
    %dma_wait3A_45 = arith.constant 0 : i32
    %dma_wait3A_46 = arith.constant 0 : i32
    %dma_wait3A_47 = tpu.memref_slice %arg2[%dma_wait3A_45, %dma_wait3A_46] : memref<5120x1024xf32, #tpu.memory_space<hbm>> -> memref<5120x1024xf32, #tpu.memory_space<hbm>>
    tpu.wait_indirect_dma semaphore(%arg15 : memref<!tpu.dma_semaphore, #tpu.memory_space<semaphore_mem>>) src(%dma_wait3A_47 : memref<5120x1024xf32, #tpu.memory_space<hbm>>) dst(%arg13 : memref<32x1024xf32, #tpu.memory_space<vmem>>)
    %scan3A_48 = arith.constant 0 : i32
    %scan3A_49 = arith.constant 0 : i32
    %scan3A_50 = arith.constant 32 : i32
    %scan3A_51 = arith.addi %scan3A_49, %scan3A_50 : i32
    %scan3A_52 = arith.constant 1 : i32
    scf.for %scan3A_56 = %scan3A_49 to %scan3A_51 step %scan3A_52  : i32 {
      %add3A_57 = arith.constant 32 : i32
      %add3A_58 = arith.addi %add3A_57, %scan3A_56 : i32
      %broadcast_in_dim3A = vector.broadcast %add3A_58 : i32 to vector<16xi32>
      %gather3A = tpu.vector_load_idx %arg10[%broadcast_in_dim3A] : memref<64xf32, #tpu.memory_space<vmem>>[vector<16xi32>], vector<16xf32>,
      %gather3A_59 = tpu.vector_load_idx %arg11[%broadcast_in_dim3A] : memref<64xf32, #tpu.memory_space<vmem>>[vector<16xi32>], vector<16xf32>,
      %scan3A_60 = arith.constant 0 : i32
      %scan3A_61 = arith.constant 0 : i32
      %scan3A_62 = arith.constant 64 : i32
      %scan3A_63 = arith.addi %scan3A_61, %scan3A_62 : i32
      %scan3A_64 = arith.constant 1 : i32
      scf.for %scan3A_66 = %scan3A_61 to %scan3A_63 step %scan3A_64  : i32 {
        %mul3A_67 = arith.constant 16 : i32
        %mul3A_68 = arith.muli %scan3A_66, %mul3A_67 : i32
        %get3A = arith.index_cast %scan3A_56 : i32 to index
        %get3A_69 = arith.index_cast %mul3A_68 : i32 to index
        %get3A_70 = tpu.vector_load %arg12[%get3A, %get3A_69] {strides = array<i32>} : memref<32x1024xf32, #tpu.memory_space<vmem>>, vector<16xf32>,
        %mul3A_71 = arith.constant 16 : i32
        %mul3A_72 = arith.muli %scan3A_66, %mul3A_71 : i32
        %get3A_73 = arith.index_cast %scan3A_56 : i32 to index
        %get3A_74 = arith.index_cast %mul3A_72 : i32 to index
        %get3A_75 = tpu.vector_load %arg13[%get3A_73, %get3A_74] {strides = array<i32>} : memref<32x1024xf32, #tpu.memory_space<vmem>>, vector<16xf32>,
        %mul3A_76 = arith.mulf %get3A_70, %gather3A : vector<16xf32>
        %mul3A_77 = arith.mulf %get3A_75, %gather3A_59 : vector<16xf32>
        %add3A_78 = arith.addf %mul3A_76, %mul3A_77 : vector<16xf32>
        %mul3A_79 = arith.constant 16 : i32
        %mul3A_80 = arith.muli %scan3A_66, %mul3A_79 : i32
        %swap3A = arith.index_cast %scan3A_56 : i32 to index
        %swap3A_81 = arith.index_cast %mul3A_80 : i32 to index
        %swap3A_82 = tpu.vector_load %arg14[%swap3A, %swap3A_81] {strides = array<i32>} : memref<32x1024xf32, #tpu.memory_space<vmem>>, vector<16xf32>,
        tpu.vector_store %arg14[%swap3A, %swap3A_81], %add3A_78 {strides = array<i32>} : memref<32x1024xf32, #tpu.memory_space<vmem>>, vector<16xf32>,
      }
      %scan3A_65 = arith.constant 64 : i32
    }
    %scan3A_53 = arith.constant 32 : i32
    %add3A_54 = arith.constant 32 : i32
    %add3A_55 = arith.addi %mul3A_2, %add3A_54 : i32
    "tpu.region"() ({
      %run_scoped3A = tpu.sem_alloc : memref<!tpu.dma_semaphore, #tpu.memory_space<semaphore_mem>>
      %dma_start3A_56 = arith.constant 0 : i32
      %dma_start3A_57 = tpu.memref_slice %arg7[%add3A_55, %dma_start3A_56] : memref<2048x1024xf32, #tpu.memory_space<hbm>> -> memref<32x1024xf32, #tpu.memory_space<hbm>>
      %dma_start3A_58 = arith.constant 0 : i32
      %dma_start3A_59 = tpu.memref_slice %arg7[%add3A_55, %dma_start3A_58] : memref<2048x1024xf32, #tpu.memory_space<hbm>> -> memref<32x1024xf32, #tpu.memory_space<hbm>>
      tpu.enqueue_dma source(%arg14 : memref<32x1024xf32, #tpu.memory_space<vmem>>) target(%dma_start3A_59 : memref<32x1024xf32, #tpu.memory_space<hbm>>) target_semaphore(%run_scoped3A : memref<!tpu.dma_semaphore, #tpu.memory_space<semaphore_mem>>)
      %dma_wait3A_60 = arith.constant 0 : i32
      %dma_wait3A_61 = tpu.memref_slice %arg7[%add3A_55, %dma_wait3A_60] : memref<2048x1024xf32, #tpu.memory_space<hbm>> -> memref<32x1024xf32, #tpu.memory_space<hbm>>
      %dma_wait3A_62 = arith.constant 0 : i32
      %dma_wait3A_63 = tpu.memref_slice %arg7[%add3A_55, %dma_wait3A_62] : memref<2048x1024xf32, #tpu.memory_space<hbm>> -> memref<32x1024xf32, #tpu.memory_space<hbm>>
      tpu.wait_dma2 semaphore(%run_scoped3A : memref<!tpu.dma_semaphore, #tpu.memory_space<semaphore_mem>>) src(%arg14 : memref<32x1024xf32, #tpu.memory_space<vmem>>) dst(%dma_wait3A_63 : memref<32x1024xf32, #tpu.memory_space<hbm>>)
      tpu.yield
    }) : () -> ()
    return
  }
}

module attributes {stable_mosaic.version = 14 : i64} {
  func.func @_mlp_body(%arg0: i32, %arg1: i32, %arg2: memref<1x640x1024xf32, #tpu.memory_space<vmem>>, %arg3: memref<1x1024x1024xf32, #tpu.memory_space<vmem>>, %arg4: memref<1x1024x1024xf32, #tpu.memory_space<vmem>>, %arg5: memref<1x640x1024xf32, #tpu.memory_space<vmem>>) attributes {dimension_semantics = [#tpu.dimension_semantics<arbitrary>, #tpu.dimension_semantics<arbitrary>], iteration_bounds = array<i64: 8, 4>, scalar_prefetch = 0 : i64, scratch_operands = 0 : i64, tpu.core_type = #tpu.core_type<tc>, window_params = [{transform_indices = @transform_0, window_bounds = array<i64: 1, 640, 1024>}, {transform_indices = @transform_1, window_bounds = array<i64: 1, 1024, 1024>}, {transform_indices = @transform_2, window_bounds = array<i64: 1, 1024, 1024>}, {transform_indices = @transform_3, window_bounds = array<i64: 1, 640, 1024>}]} {
    %get3A = arith.constant 0 : index
    %get3A_0 = arith.constant 0 : index
    %get3A_1 = arith.constant 0 : index
    %get3A_2 = vector.load %arg2[%get3A, %get3A_0, %get3A_1] : memref<1x640x1024xf32, #tpu.memory_space<vmem>>, vector<1x640x1024xf32>
    %get3A_3 = vector.shape_cast %get3A_2 : vector<1x640x1024xf32> to vector<640x1024xf32>
    %get3A_4 = arith.constant 0 : index
    %get3A_5 = arith.constant 0 : index
    %get3A_6 = arith.constant 0 : index
    %get3A_7 = vector.load %arg3[%get3A_4, %get3A_5, %get3A_6] : memref<1x1024x1024xf32, #tpu.memory_space<vmem>>, vector<1x1024x1024xf32>
    %get3A_8 = vector.shape_cast %get3A_7 : vector<1x1024x1024xf32> to vector<1024x1024xf32>
    %dot_general3A = arith.constant dense<0.000000e+00> : vector<640x1024xf32>
    %dot_general3A_9 = tpu.matmul %get3A_3, %get3A_8, %dot_general3A {dimension_numbers = #tpu.dot_dimension_numbers<[1], [0], [0], [1], [0, 0, 1, 1], [], []>, transpose_lhs_hint = false} : vector<640x1024xf32>, vector<1024x1024xf32>, vector<640x1024xf32> -> vector<640x1024xf32>
    %mul3A = arith.constant 5.000000e-01 : f32
    %mul3A_10 = vector.broadcast %mul3A : f32 to vector<640x1024xf32>
    %mul3A_11 = arith.mulf %mul3A_10, %dot_general3A_9 : vector<640x1024xf32>
    %mul3A_12 = arith.constant 0.707106769 : f32
    %mul3A_13 = vector.broadcast %mul3A_12 : f32 to vector<640x1024xf32>
    %mul3A_14 = arith.mulf %dot_general3A_9, %mul3A_13 : vector<640x1024xf32>
    %erf3A = math.erf %mul3A_14 : vector<640x1024xf32>
    %add3A = arith.constant 1.000000e+00 : f32
    %add3A_15 = vector.broadcast %add3A : f32 to vector<640x1024xf32>
    %add3A_16 = arith.addf %add3A_15, %erf3A : vector<640x1024xf32>
    %mul3A_17 = arith.mulf %mul3A_11, %add3A_16 : vector<640x1024xf32>
    %get3A_18 = arith.constant 0 : index
    %get3A_19 = arith.constant 0 : index
    %get3A_20 = arith.constant 0 : index
    %get3A_21 = vector.load %arg4[%get3A_18, %get3A_19, %get3A_20] : memref<1x1024x1024xf32, #tpu.memory_space<vmem>>, vector<1x1024x1024xf32>
    %get3A_22 = vector.shape_cast %get3A_21 : vector<1x1024x1024xf32> to vector<1024x1024xf32>
    %dot_general3A_23 = arith.constant dense<0.000000e+00> : vector<640x1024xf32>
    %dot_general3A_24 = tpu.matmul %mul3A_17, %get3A_22, %dot_general3A_23 {dimension_numbers = #tpu.dot_dimension_numbers<[1], [0], [0], [1], [0, 0, 1, 1], [], []>, transpose_lhs_hint = false} : vector<640x1024xf32>, vector<1024x1024xf32>, vector<640x1024xf32> -> vector<640x1024xf32>
    %eq3A = arith.constant 0 : i32
    %eq3A_25 = arith.cmpi eq, %arg1, %eq3A : i32
    %convert_element_type3A = arith.extui %eq3A_25 : i1 to i32
    %cond3A = arith.constant 0 : i32
    %cond3A_26 = arith.cmpi ne, %convert_element_type3A, %cond3A : i32
    scf.if %cond3A_26 {
      %swap3A = arith.constant 0 : index
      %swap3A_31 = arith.constant 0 : index
      %swap3A_32 = arith.constant 0 : index
      %swap3A_33 = vector.load %arg5[%swap3A, %swap3A_31, %swap3A_32] : memref<1x640x1024xf32, #tpu.memory_space<vmem>>, vector<1x640x1024xf32>
      %swap3A_34 = vector.shape_cast %swap3A_33 : vector<1x640x1024xf32> to vector<640x1024xf32>
      %swap3A_35 = vector.shape_cast %dot_general3A_24 : vector<640x1024xf32> to vector<1x640x1024xf32>
      tpu.vector_store %arg5[%swap3A, %swap3A_31, %swap3A_32], %swap3A_35 {strides = array<i32>} : memref<1x640x1024xf32, #tpu.memory_space<vmem>>, vector<1x640x1024xf32>,
    } else {
    }
    %ne3A = arith.constant 0 : i32
    %ne3A_27 = arith.cmpi ne, %arg1, %ne3A : i32
    %convert_element_type3A_28 = arith.extui %ne3A_27 : i1 to i32
    %cond3A_29 = arith.constant 0 : i32
    %cond3A_30 = arith.cmpi ne, %convert_element_type3A_28, %cond3A_29 : i32
    scf.if %cond3A_30 {
      %get3A_31 = arith.constant 0 : index
      %get3A_32 = arith.constant 0 : index
      %get3A_33 = arith.constant 0 : index
      %get3A_34 = vector.load %arg5[%get3A_31, %get3A_32, %get3A_33] : memref<1x640x1024xf32, #tpu.memory_space<vmem>>, vector<1x640x1024xf32>
      %get3A_35 = vector.shape_cast %get3A_34 : vector<1x640x1024xf32> to vector<640x1024xf32>
      %add3A_36 = arith.addf %get3A_35, %dot_general3A_24 : vector<640x1024xf32>
      %swap3A = arith.constant 0 : index
      %swap3A_37 = arith.constant 0 : index
      %swap3A_38 = arith.constant 0 : index
      %swap3A_39 = vector.load %arg5[%swap3A, %swap3A_37, %swap3A_38] : memref<1x640x1024xf32, #tpu.memory_space<vmem>>, vector<1x640x1024xf32>
      %swap3A_40 = vector.shape_cast %swap3A_39 : vector<1x640x1024xf32> to vector<640x1024xf32>
      %swap3A_41 = vector.shape_cast %add3A_36 : vector<640x1024xf32> to vector<1x640x1024xf32>
      tpu.vector_store %arg5[%swap3A, %swap3A_37, %swap3A_38], %swap3A_41 {strides = array<i32>} : memref<1x640x1024xf32, #tpu.memory_space<vmem>>, vector<1x640x1024xf32>,
    } else {
    }
    return
  }
  func.func @transform_0(%arg0: i32, %arg1: i32) -> (i32, i32, i32) {
    %c0_i32 = arith.constant 0 : i32
    %c0_i32_0 = arith.constant 0 : i32
    %c0_i32_1 = arith.constant 0 : i32
    return %arg0, %c0_i32, %c0_i32_0 : i32, i32, i32
  }
  func.func @transform_1(%arg0: i32, %arg1: i32) -> (i32, i32, i32) {
    %c0_i32 = arith.constant 0 : i32
    %c0_i32_0 = arith.constant 0 : i32
    return %arg0, %c0_i32, %arg1 : i32, i32, i32
  }
  func.func @transform_2(%arg0: i32, %arg1: i32) -> (i32, i32, i32) {
    %c0_i32 = arith.constant 0 : i32
    %c0_i32_0 = arith.constant 0 : i32
    return %arg0, %arg1, %c0_i32 : i32, i32, i32
  }
  func.func @transform_3(%arg0: i32, %arg1: i32) -> (i32, i32, i32) {
    %c0_i32 = arith.constant 0 : i32
    %c0_i32_0 = arith.constant 0 : i32
    %c0_i32_1 = arith.constant 0 : i32
    return %arg0, %c0_i32, %c0_i32_0 : i32, i32, i32
  }
}

module attributes {stable_mosaic.version = 14 : i64} {
  func.func @_router_body(%arg0: memref<2048x1024xf32, #tpu.memory_space<vmem>>, %arg1: memref<8x1024xf32, #tpu.memory_space<vmem>>, %arg2: memref<2048x1xi32, #tpu.memory_space<vmem>>, %arg3: memref<2048x1xi32, #tpu.memory_space<vmem>>, %arg4: memref<2048x1xi32, #tpu.memory_space<vmem>>, %arg5: memref<2048x1xi32, #tpu.memory_space<vmem>>, %arg6: memref<2048x1xf32, #tpu.memory_space<vmem>>, %arg7: memref<2048x1xf32, #tpu.memory_space<vmem>>) attributes {dimension_semantics = [], scalar_prefetch = 0 : i64, scratch_operands = 0 : i64, tpu.core_type = #tpu.core_type<tc>} {
    %get3A = arith.constant 0 : index
    %get3A_0 = arith.constant 0 : index
    %get3A_1 = vector.load %arg0[%get3A, %get3A_0] : memref<2048x1024xf32, #tpu.memory_space<vmem>>, vector<2048x1024xf32>
    %get3A_2 = arith.constant 0 : index
    %get3A_3 = arith.constant 0 : index
    %get3A_4 = vector.load %arg1[%get3A_2, %get3A_3] : memref<8x1024xf32, #tpu.memory_space<vmem>>, vector<8x1024xf32>
    %dot_general3A = arith.constant dense<0.000000e+00> : vector<2048x8xf32>
    %dot_general3A_5 = tpu.matmul %get3A_1, %get3A_4, %dot_general3A {dimension_numbers = #tpu.dot_dimension_numbers<[1], [1], [0], [0], [0, 0, 1, 0], [], []>, transpose_lhs_hint = false} : vector<2048x1024xf32>, vector<8x1024xf32>, vector<2048x8xf32> -> vector<2048x8xf32>
    %iota3A = tpu.iota {dimensions = array<i32: 1>} : vector<2048x8xi32>
    %reduce_max3A = arith.constant dense<0xFF800000> : vector<2048xf32>
    %reduce_max3A_6 = vector.multi_reduction <maximumf>, %dot_general3A_5, %reduce_max3A [1] : vector<2048x8xf32> to vector<2048xf32>
    %broadcast_in_dim3A = vector.shape_cast %reduce_max3A_6 : vector<2048xf32> to vector<2048x1xf32>
    %eq3A = vector.broadcast %broadcast_in_dim3A : vector<2048x1xf32> to vector<2048x8xf32>
    %eq3A_7 = arith.cmpf oeq, %dot_general3A_5, %eq3A : vector<2048x8xf32>
    %jit3A = arith.constant 8 : i32
    %broadcast_in_dim3A_8 = vector.broadcast %jit3A : i32 to vector<2048x8xi32>
    %select_n3A = arith.select %eq3A_7, %iota3A, %broadcast_in_dim3A_8 : vector<2048x8xi1>, vector<2048x8xi32>
    %reduce_min3A = arith.constant dense<2147483647> : vector<2048xi32>
    %reduce_min3A_9 = vector.multi_reduction <minsi>, %select_n3A, %reduce_min3A [1] : vector<2048x8xi32> to vector<2048xi32>
    %broadcast_in_dim3A_10 = vector.shape_cast %reduce_min3A_9 : vector<2048xi32> to vector<2048x1xi32>
    %eq3A_11 = vector.broadcast %broadcast_in_dim3A_10 : vector<2048x1xi32> to vector<2048x8xi32>
    %eq3A_12 = arith.cmpi eq, %iota3A, %eq3A_11 : vector<2048x8xi32>
    %jit3A_13 = arith.constant 0xFF800000 : f32
    %broadcast_in_dim3A_14 = vector.broadcast %jit3A_13 : f32 to vector<2048x8xf32>
    %select_n3A_15 = arith.select %eq3A_12, %broadcast_in_dim3A_14, %dot_general3A_5 : vector<2048x8xi1>, vector<2048x8xf32>
    %reduce_max3A_16 = arith.constant dense<0xFF800000> : vector<2048xf32>
    %reduce_max3A_17 = vector.multi_reduction <maximumf>, %select_n3A_15, %reduce_max3A_16 [1] : vector<2048x8xf32> to vector<2048xf32>
    %broadcast_in_dim3A_18 = vector.shape_cast %reduce_max3A_17 : vector<2048xf32> to vector<2048x1xf32>
    %eq3A_19 = vector.broadcast %broadcast_in_dim3A_18 : vector<2048x1xf32> to vector<2048x8xf32>
    %eq3A_20 = arith.cmpf oeq, %select_n3A_15, %eq3A_19 : vector<2048x8xf32>
    %jit3A_21 = arith.constant 8 : i32
    %broadcast_in_dim3A_22 = vector.broadcast %jit3A_21 : i32 to vector<2048x8xi32>
    %select_n3A_23 = arith.select %eq3A_20, %iota3A, %broadcast_in_dim3A_22 : vector<2048x8xi1>, vector<2048x8xi32>
    %reduce_min3A_24 = arith.constant dense<2147483647> : vector<2048xi32>
    %reduce_min3A_25 = vector.multi_reduction <minsi>, %select_n3A_23, %reduce_min3A_24 [1] : vector<2048x8xi32> to vector<2048xi32>
    %broadcast_in_dim3A_26 = vector.shape_cast %reduce_min3A_25 : vector<2048xi32> to vector<2048x1xi32>
    %eq3A_27 = vector.broadcast %broadcast_in_dim3A_26 : vector<2048x1xi32> to vector<2048x8xi32>
    %eq3A_28 = arith.cmpi eq, %iota3A, %eq3A_27 : vector<2048x8xi32>
    %sub3A = arith.subf %broadcast_in_dim3A_18, %broadcast_in_dim3A : vector<2048x1xf32>
    %exp3A = math.exp %sub3A : vector<2048x1xf32>
    %add3A = arith.constant 1.000000e+00 : f32
    %add3A_29 = vector.broadcast %add3A : f32 to vector<2048x1xf32>
    %add3A_30 = arith.addf %add3A_29, %exp3A : vector<2048x1xf32>
    %div3A = arith.constant 1.000000e+00 : f32
    %div3A_31 = vector.broadcast %div3A : f32 to vector<2048x1xf32>
    %div3A_32 = arith.divf %div3A_31, %add3A_30 : vector<2048x1xf32>
    %sub3A_33 = arith.constant 1.000000e+00 : f32
    %sub3A_34 = vector.broadcast %sub3A_33 : f32 to vector<2048x1xf32>
    %sub3A_35 = arith.subf %sub3A_34, %div3A_32 : vector<2048x1xf32>
    %iota3A_36 = tpu.iota {dimensions = array<i32: 0>} : vector<128x128xi32>
    %iota3A_37 = tpu.iota {dimensions = array<i32: 1>} : vector<128x128xi32>
    %ge3A = arith.cmpi sge, %iota3A_36, %iota3A_37 : vector<128x128xi32>
    %convert_element_type3A = arith.extui %ge3A : vector<128x128xi1> to vector<128x128xi32>
    %convert_element_type3A_38 = arith.sitofp %convert_element_type3A : vector<128x128xi32> to vector<128x128xf32>
    %broadcast_in_dim3A_39 = arith.constant 0.000000e+00 : f32
    %broadcast_in_dim3A_40 = vector.broadcast %broadcast_in_dim3A_39 : f32 to vector<1x8xf32>
    %convert_element_type3A_41 = arith.extui %eq3A_12 : vector<2048x8xi1> to vector<2048x8xi32>
    %convert_element_type3A_42 = arith.sitofp %convert_element_type3A_41 : vector<2048x8xi32> to vector<2048x8xf32>
    %broadcast_in_dim3A_43 = arith.constant 0.000000e+00 : f32
    %broadcast_in_dim3A_44 = vector.broadcast %broadcast_in_dim3A_43 : f32 to vector<1x8xf32>
    %slice3A = vector.extract_strided_slice %convert_element_type3A_42 {offsets = [0, 0], sizes = [128, 8], strides = [1, 1]} : vector<2048x8xf32> to vector<128x8xf32>
    %dot_general3A_45 = arith.constant dense<0.000000e+00> : vector<128x8xf32>
    %dot_general3A_46 = tpu.matmul %convert_element_type3A_38, %slice3A, %dot_general3A_45 {dimension_numbers = #tpu.dot_dimension_numbers<[1], [0], [0], [1], [0, 0, 1, 1], [], []>, transpose_lhs_hint = false} : vector<128x128xf32>, vector<128x8xf32>, vector<128x8xf32> -> vector<128x8xf32>
    %add3A_47 = vector.broadcast %broadcast_in_dim3A_44 : vector<1x8xf32> to vector<128x8xf32>
    %add3A_48 = arith.addf %dot_general3A_46, %add3A_47 : vector<128x8xf32>
    %add3A_49 = vector.broadcast %broadcast_in_dim3A_40 : vector<1x8xf32> to vector<128x8xf32>
    %add3A_50 = arith.addf %add3A_48, %add3A_49 : vector<128x8xf32>
    %mul3A = arith.mulf %slice3A, %add3A_50 : vector<128x8xf32>
    %reduce_sum3A = arith.constant dense<0.000000e+00> : vector<128xf32>
    %reduce_sum3A_51 = vector.multi_reduction <add>, %mul3A, %reduce_sum3A [1] : vector<128x8xf32> to vector<128xf32>
    %broadcast_in_dim3A_52 = vector.shape_cast %reduce_sum3A_51 : vector<128xf32> to vector<128x1xf32>
    %slice3A_53 = vector.extract_strided_slice %add3A_48 {offsets = [127, 0], sizes = [1, 8], strides = [1, 1]} : vector<128x8xf32> to vector<1x8xf32>
    %slice3A_54 = vector.extract_strided_slice %convert_element_type3A_42 {offsets = [128, 0], sizes = [128, 8], strides = [1, 1]} : vector<2048x8xf32> to vector<128x8xf32>
    %dot_general3A_55 = arith.constant dense<0.000000e+00> : vector<128x8xf32>
    %dot_general3A_56 = tpu.matmul %convert_element_type3A_38, %slice3A_54, %dot_general3A_55 {dimension_numbers = #tpu.dot_dimension_numbers<[1], [0], [0], [1], [0, 0, 1, 1], [], []>, transpose_lhs_hint = false} : vector<128x128xf32>, vector<128x8xf32>, vector<128x8xf32> -> vector<128x8xf32>
    %add3A_57 = vector.broadcast %slice3A_53 : vector<1x8xf32> to vector<128x8xf32>
    %add3A_58 = arith.addf %dot_general3A_56, %add3A_57 : vector<128x8xf32>
    %add3A_59 = vector.broadcast %broadcast_in_dim3A_40 : vector<1x8xf32> to vector<128x8xf32>
    %add3A_60 = arith.addf %add3A_58, %add3A_59 : vector<128x8xf32>
    %mul3A_61 = arith.mulf %slice3A_54, %add3A_60 : vector<128x8xf32>
    %reduce_sum3A_62 = arith.constant dense<0.000000e+00> : vector<128xf32>
    %reduce_sum3A_63 = vector.multi_reduction <add>, %mul3A_61, %reduce_sum3A_62 [1] : vector<128x8xf32> to vector<128xf32>
    %broadcast_in_dim3A_64 = vector.shape_cast %reduce_sum3A_63 : vector<128xf32> to vector<128x1xf32>
    %slice3A_65 = vector.extract_strided_slice %add3A_58 {offsets = [127, 0], sizes = [1, 8], strides = [1, 1]} : vector<128x8xf32> to vector<1x8xf32>
    %slice3A_66 = vector.extract_strided_slice %convert_element_type3A_42 {offsets = [256, 0], sizes = [128, 8], strides = [1, 1]} : vector<2048x8xf32> to vector<128x8xf32>
    %dot_general3A_67 = arith.constant dense<0.000000e+00> : vector<128x8xf32>
    %dot_general3A_68 = tpu.matmul %convert_element_type3A_38, %slice3A_66, %dot_general3A_67 {dimension_numbers = #tpu.dot_dimension_numbers<[1], [0], [0], [1], [0, 0, 1, 1], [], []>, transpose_lhs_hint = false} : vector<128x128xf32>, vector<128x8xf32>, vector<128x8xf32> -> vector<128x8xf32>
    %add3A_69 = vector.broadcast %slice3A_65 : vector<1x8xf32> to vector<128x8xf32>
    %add3A_70 = arith.addf %dot_general3A_68, %add3A_69 : vector<128x8xf32>
    %add3A_71 = vector.broadcast %broadcast_in_dim3A_40 : vector<1x8xf32> to vector<128x8xf32>
    %add3A_72 = arith.addf %add3A_70, %add3A_71 : vector<128x8xf32>
    %mul3A_73 = arith.mulf %slice3A_66, %add3A_72 : vector<128x8xf32>
    %reduce_sum3A_74 = arith.constant dense<0.000000e+00> : vector<128xf32>
    %reduce_sum3A_75 = vector.multi_reduction <add>, %mul3A_73, %reduce_sum3A_74 [1] : vector<128x8xf32> to vector<128xf32>
    %broadcast_in_dim3A_76 = vector.shape_cast %reduce_sum3A_75 : vector<128xf32> to vector<128x1xf32>
    %slice3A_77 = vector.extract_strided_slice %add3A_70 {offsets = [127, 0], sizes = [1, 8], strides = [1, 1]} : vector<128x8xf32> to vector<1x8xf32>
    %slice3A_78 = vector.extract_strided_slice %convert_element_type3A_42 {offsets = [384, 0], sizes = [128, 8], strides = [1, 1]} : vector<2048x8xf32> to vector<128x8xf32>
    %dot_general3A_79 = arith.constant dense<0.000000e+00> : vector<128x8xf32>
    %dot_general3A_80 = tpu.matmul %convert_element_type3A_38, %slice3A_78, %dot_general3A_79 {dimension_numbers = #tpu.dot_dimension_numbers<[1], [0], [0], [1], [0, 0, 1, 1], [], []>, transpose_lhs_hint = false} : vector<128x128xf32>, vector<128x8xf32>, vector<128x8xf32> -> vector<128x8xf32>
    %add3A_81 = vector.broadcast %slice3A_77 : vector<1x8xf32> to vector<128x8xf32>
    %add3A_82 = arith.addf %dot_general3A_80, %add3A_81 : vector<128x8xf32>
    %add3A_83 = vector.broadcast %broadcast_in_dim3A_40 : vector<1x8xf32> to vector<128x8xf32>
    %add3A_84 = arith.addf %add3A_82, %add3A_83 : vector<128x8xf32>
    %mul3A_85 = arith.mulf %slice3A_78, %add3A_84 : vector<128x8xf32>
    %reduce_sum3A_86 = arith.constant dense<0.000000e+00> : vector<128xf32>
    %reduce_sum3A_87 = vector.multi_reduction <add>, %mul3A_85, %reduce_sum3A_86 [1] : vector<128x8xf32> to vector<128xf32>
    %broadcast_in_dim3A_88 = vector.shape_cast %reduce_sum3A_87 : vector<128xf32> to vector<128x1xf32>
    %slice3A_89 = vector.extract_strided_slice %add3A_82 {offsets = [127, 0], sizes = [1, 8], strides = [1, 1]} : vector<128x8xf32> to vector<1x8xf32>
    %slice3A_90 = vector.extract_strided_slice %convert_element_type3A_42 {offsets = [512, 0], sizes = [128, 8], strides = [1, 1]} : vector<2048x8xf32> to vector<128x8xf32>
    %dot_general3A_91 = arith.constant dense<0.000000e+00> : vector<128x8xf32>
    %dot_general3A_92 = tpu.matmul %convert_element_type3A_38, %slice3A_90, %dot_general3A_91 {dimension_numbers = #tpu.dot_dimension_numbers<[1], [0], [0], [1], [0, 0, 1, 1], [], []>, transpose_lhs_hint = false} : vector<128x128xf32>, vector<128x8xf32>, vector<128x8xf32> -> vector<128x8xf32>
    %add3A_93 = vector.broadcast %slice3A_89 : vector<1x8xf32> to vector<128x8xf32>
    %add3A_94 = arith.addf %dot_general3A_92, %add3A_93 : vector<128x8xf32>
    %add3A_95 = vector.broadcast %broadcast_in_dim3A_40 : vector<1x8xf32> to vector<128x8xf32>
    %add3A_96 = arith.addf %add3A_94, %add3A_95 : vector<128x8xf32>
    %mul3A_97 = arith.mulf %slice3A_90, %add3A_96 : vector<128x8xf32>
    %reduce_sum3A_98 = arith.constant dense<0.000000e+00> : vector<128xf32>
    %reduce_sum3A_99 = vector.multi_reduction <add>, %mul3A_97, %reduce_sum3A_98 [1] : vector<128x8xf32> to vector<128xf32>
    %broadcast_in_dim3A_100 = vector.shape_cast %reduce_sum3A_99 : vector<128xf32> to vector<128x1xf32>
    %slice3A_101 = vector.extract_strided_slice %add3A_94 {offsets = [127, 0], sizes = [1, 8], strides = [1, 1]} : vector<128x8xf32> to vector<1x8xf32>
    %slice3A_102 = vector.extract_strided_slice %convert_element_type3A_42 {offsets = [640, 0], sizes = [128, 8], strides = [1, 1]} : vector<2048x8xf32> to vector<128x8xf32>
    %dot_general3A_103 = arith.constant dense<0.000000e+00> : vector<128x8xf32>
    %dot_general3A_104 = tpu.matmul %convert_element_type3A_38, %slice3A_102, %dot_general3A_103 {dimension_numbers = #tpu.dot_dimension_numbers<[1], [0], [0], [1], [0, 0, 1, 1], [], []>, transpose_lhs_hint = false} : vector<128x128xf32>, vector<128x8xf32>, vector<128x8xf32> -> vector<128x8xf32>
    %add3A_105 = vector.broadcast %slice3A_101 : vector<1x8xf32> to vector<128x8xf32>
    %add3A_106 = arith.addf %dot_general3A_104, %add3A_105 : vector<128x8xf32>
    %add3A_107 = vector.broadcast %broadcast_in_dim3A_40 : vector<1x8xf32> to vector<128x8xf32>
    %add3A_108 = arith.addf %add3A_106, %add3A_107 : vector<128x8xf32>
    %mul3A_109 = arith.mulf %slice3A_102, %add3A_108 : vector<128x8xf32>
    %reduce_sum3A_110 = arith.constant dense<0.000000e+00> : vector<128xf32>
    %reduce_sum3A_111 = vector.multi_reduction <add>, %mul3A_109, %reduce_sum3A_110 [1] : vector<128x8xf32> to vector<128xf32>
    %broadcast_in_dim3A_112 = vector.shape_cast %reduce_sum3A_111 : vector<128xf32> to vector<128x1xf32>
    %slice3A_113 = vector.extract_strided_slice %add3A_106 {offsets = [127, 0], sizes = [1, 8], strides = [1, 1]} : vector<128x8xf32> to vector<1x8xf32>
    %slice3A_114 = vector.extract_strided_slice %convert_element_type3A_42 {offsets = [768, 0], sizes = [128, 8], strides = [1, 1]} : vector<2048x8xf32> to vector<128x8xf32>
    %dot_general3A_115 = arith.constant dense<0.000000e+00> : vector<128x8xf32>
    %dot_general3A_116 = tpu.matmul %convert_element_type3A_38, %slice3A_114, %dot_general3A_115 {dimension_numbers = #tpu.dot_dimension_numbers<[1], [0], [0], [1], [0, 0, 1, 1], [], []>, transpose_lhs_hint = false} : vector<128x128xf32>, vector<128x8xf32>, vector<128x8xf32> -> vector<128x8xf32>
    %add3A_117 = vector.broadcast %slice3A_113 : vector<1x8xf32> to vector<128x8xf32>
    %add3A_118 = arith.addf %dot_general3A_116, %add3A_117 : vector<128x8xf32>
    %add3A_119 = vector.broadcast %broadcast_in_dim3A_40 : vector<1x8xf32> to vector<128x8xf32>
    %add3A_120 = arith.addf %add3A_118, %add3A_119 : vector<128x8xf32>
    %mul3A_121 = arith.mulf %slice3A_114, %add3A_120 : vector<128x8xf32>
    %reduce_sum3A_122 = arith.constant dense<0.000000e+00> : vector<128xf32>
    %reduce_sum3A_123 = vector.multi_reduction <add>, %mul3A_121, %reduce_sum3A_122 [1] : vector<128x8xf32> to vector<128xf32>
    %broadcast_in_dim3A_124 = vector.shape_cast %reduce_sum3A_123 : vector<128xf32> to vector<128x1xf32>
    %slice3A_125 = vector.extract_strided_slice %add3A_118 {offsets = [127, 0], sizes = [1, 8], strides = [1, 1]} : vector<128x8xf32> to vector<1x8xf32>
    %slice3A_126 = vector.extract_strided_slice %convert_element_type3A_42 {offsets = [896, 0], sizes = [128, 8], strides = [1, 1]} : vector<2048x8xf32> to vector<128x8xf32>
    %dot_general3A_127 = arith.constant dense<0.000000e+00> : vector<128x8xf32>
    %dot_general3A_128 = tpu.matmul %convert_element_type3A_38, %slice3A_126, %dot_general3A_127 {dimension_numbers = #tpu.dot_dimension_numbers<[1], [0], [0], [1], [0, 0, 1, 1], [], []>, transpose_lhs_hint = false} : vector<128x128xf32>, vector<128x8xf32>, vector<128x8xf32> -> vector<128x8xf32>
    %add3A_129 = vector.broadcast %slice3A_125 : vector<1x8xf32> to vector<128x8xf32>
    %add3A_130 = arith.addf %dot_general3A_128, %add3A_129 : vector<128x8xf32>
    %add3A_131 = vector.broadcast %broadcast_in_dim3A_40 : vector<1x8xf32> to vector<128x8xf32>
    %add3A_132 = arith.addf %add3A_130, %add3A_131 : vector<128x8xf32>
    %mul3A_133 = arith.mulf %slice3A_126, %add3A_132 : vector<128x8xf32>
    %reduce_sum3A_134 = arith.constant dense<0.000000e+00> : vector<128xf32>
    %reduce_sum3A_135 = vector.multi_reduction <add>, %mul3A_133, %reduce_sum3A_134 [1] : vector<128x8xf32> to vector<128xf32>
    %broadcast_in_dim3A_136 = vector.shape_cast %reduce_sum3A_135 : vector<128xf32> to vector<128x1xf32>
    %slice3A_137 = vector.extract_strided_slice %add3A_130 {offsets = [127, 0], sizes = [1, 8], strides = [1, 1]} : vector<128x8xf32> to vector<1x8xf32>
    %slice3A_138 = vector.extract_strided_slice %convert_element_type3A_42 {offsets = [1024, 0], sizes = [128, 8], strides = [1, 1]} : vector<2048x8xf32> to vector<128x8xf32>
    %dot_general3A_139 = arith.constant dense<0.000000e+00> : vector<128x8xf32>
    %dot_general3A_140 = tpu.matmul %convert_element_type3A_38, %slice3A_138, %dot_general3A_139 {dimension_numbers = #tpu.dot_dimension_numbers<[1], [0], [0], [1], [0, 0, 1, 1], [], []>, transpose_lhs_hint = false} : vector<128x128xf32>, vector<128x8xf32>, vector<128x8xf32> -> vector<128x8xf32>
    %add3A_141 = vector.broadcast %slice3A_137 : vector<1x8xf32> to vector<128x8xf32>
    %add3A_142 = arith.addf %dot_general3A_140, %add3A_141 : vector<128x8xf32>
    %add3A_143 = vector.broadcast %broadcast_in_dim3A_40 : vector<1x8xf32> to vector<128x8xf32>
    %add3A_144 = arith.addf %add3A_142, %add3A_143 : vector<128x8xf32>
    %mul3A_145 = arith.mulf %slice3A_138, %add3A_144 : vector<128x8xf32>
    %reduce_sum3A_146 = arith.constant dense<0.000000e+00> : vector<128xf32>
    %reduce_sum3A_147 = vector.multi_reduction <add>, %mul3A_145, %reduce_sum3A_146 [1] : vector<128x8xf32> to vector<128xf32>
    %broadcast_in_dim3A_148 = vector.shape_cast %reduce_sum3A_147 : vector<128xf32> to vector<128x1xf32>
    %slice3A_149 = vector.extract_strided_slice %add3A_142 {offsets = [127, 0], sizes = [1, 8], strides = [1, 1]} : vector<128x8xf32> to vector<1x8xf32>
    %slice3A_150 = vector.extract_strided_slice %convert_element_type3A_42 {offsets = [1152, 0], sizes = [128, 8], strides = [1, 1]} : vector<2048x8xf32> to vector<128x8xf32>
    %dot_general3A_151 = arith.constant dense<0.000000e+00> : vector<128x8xf32>
    %dot_general3A_152 = tpu.matmul %convert_element_type3A_38, %slice3A_150, %dot_general3A_151 {dimension_numbers = #tpu.dot_dimension_numbers<[1], [0], [0], [1], [0, 0, 1, 1], [], []>, transpose_lhs_hint = false} : vector<128x128xf32>, vector<128x8xf32>, vector<128x8xf32> -> vector<128x8xf32>
    %add3A_153 = vector.broadcast %slice3A_149 : vector<1x8xf32> to vector<128x8xf32>
    %add3A_154 = arith.addf %dot_general3A_152, %add3A_153 : vector<128x8xf32>
    %add3A_155 = vector.broadcast %broadcast_in_dim3A_40 : vector<1x8xf32> to vector<128x8xf32>
    %add3A_156 = arith.addf %add3A_154, %add3A_155 : vector<128x8xf32>
    %mul3A_157 = arith.mulf %slice3A_150, %add3A_156 : vector<128x8xf32>
    %reduce_sum3A_158 = arith.constant dense<0.000000e+00> : vector<128xf32>
    %reduce_sum3A_159 = vector.multi_reduction <add>, %mul3A_157, %reduce_sum3A_158 [1] : vector<128x8xf32> to vector<128xf32>
    %broadcast_in_dim3A_160 = vector.shape_cast %reduce_sum3A_159 : vector<128xf32> to vector<128x1xf32>
    %slice3A_161 = vector.extract_strided_slice %add3A_154 {offsets = [127, 0], sizes = [1, 8], strides = [1, 1]} : vector<128x8xf32> to vector<1x8xf32>
    %slice3A_162 = vector.extract_strided_slice %convert_element_type3A_42 {offsets = [1280, 0], sizes = [128, 8], strides = [1, 1]} : vector<2048x8xf32> to vector<128x8xf32>
    %dot_general3A_163 = arith.constant dense<0.000000e+00> : vector<128x8xf32>
    %dot_general3A_164 = tpu.matmul %convert_element_type3A_38, %slice3A_162, %dot_general3A_163 {dimension_numbers = #tpu.dot_dimension_numbers<[1], [0], [0], [1], [0, 0, 1, 1], [], []>, transpose_lhs_hint = false} : vector<128x128xf32>, vector<128x8xf32>, vector<128x8xf32> -> vector<128x8xf32>
    %add3A_165 = vector.broadcast %slice3A_161 : vector<1x8xf32> to vector<128x8xf32>
    %add3A_166 = arith.addf %dot_general3A_164, %add3A_165 : vector<128x8xf32>
    %add3A_167 = vector.broadcast %broadcast_in_dim3A_40 : vector<1x8xf32> to vector<128x8xf32>
    %add3A_168 = arith.addf %add3A_166, %add3A_167 : vector<128x8xf32>
    %mul3A_169 = arith.mulf %slice3A_162, %add3A_168 : vector<128x8xf32>
    %reduce_sum3A_170 = arith.constant dense<0.000000e+00> : vector<128xf32>
    %reduce_sum3A_171 = vector.multi_reduction <add>, %mul3A_169, %reduce_sum3A_170 [1] : vector<128x8xf32> to vector<128xf32>
    %broadcast_in_dim3A_172 = vector.shape_cast %reduce_sum3A_171 : vector<128xf32> to vector<128x1xf32>
    %slice3A_173 = vector.extract_strided_slice %add3A_166 {offsets = [127, 0], sizes = [1, 8], strides = [1, 1]} : vector<128x8xf32> to vector<1x8xf32>
    %slice3A_174 = vector.extract_strided_slice %convert_element_type3A_42 {offsets = [1408, 0], sizes = [128, 8], strides = [1, 1]} : vector<2048x8xf32> to vector<128x8xf32>
    %dot_general3A_175 = arith.constant dense<0.000000e+00> : vector<128x8xf32>
    %dot_general3A_176 = tpu.matmul %convert_element_type3A_38, %slice3A_174, %dot_general3A_175 {dimension_numbers = #tpu.dot_dimension_numbers<[1], [0], [0], [1], [0, 0, 1, 1], [], []>, transpose_lhs_hint = false} : vector<128x128xf32>, vector<128x8xf32>, vector<128x8xf32> -> vector<128x8xf32>
    %add3A_177 = vector.broadcast %slice3A_173 : vector<1x8xf32> to vector<128x8xf32>
    %add3A_178 = arith.addf %dot_general3A_176, %add3A_177 : vector<128x8xf32>
    %add3A_179 = vector.broadcast %broadcast_in_dim3A_40 : vector<1x8xf32> to vector<128x8xf32>
    %add3A_180 = arith.addf %add3A_178, %add3A_179 : vector<128x8xf32>
    %mul3A_181 = arith.mulf %slice3A_174, %add3A_180 : vector<128x8xf32>
    %reduce_sum3A_182 = arith.constant dense<0.000000e+00> : vector<128xf32>
    %reduce_sum3A_183 = vector.multi_reduction <add>, %mul3A_181, %reduce_sum3A_182 [1] : vector<128x8xf32> to vector<128xf32>
    %broadcast_in_dim3A_184 = vector.shape_cast %reduce_sum3A_183 : vector<128xf32> to vector<128x1xf32>
    %slice3A_185 = vector.extract_strided_slice %add3A_178 {offsets = [127, 0], sizes = [1, 8], strides = [1, 1]} : vector<128x8xf32> to vector<1x8xf32>
    %slice3A_186 = vector.extract_strided_slice %convert_element_type3A_42 {offsets = [1536, 0], sizes = [128, 8], strides = [1, 1]} : vector<2048x8xf32> to vector<128x8xf32>
    %dot_general3A_187 = arith.constant dense<0.000000e+00> : vector<128x8xf32>
    %dot_general3A_188 = tpu.matmul %convert_element_type3A_38, %slice3A_186, %dot_general3A_187 {dimension_numbers = #tpu.dot_dimension_numbers<[1], [0], [0], [1], [0, 0, 1, 1], [], []>, transpose_lhs_hint = false} : vector<128x128xf32>, vector<128x8xf32>, vector<128x8xf32> -> vector<128x8xf32>
    %add3A_189 = vector.broadcast %slice3A_185 : vector<1x8xf32> to vector<128x8xf32>
    %add3A_190 = arith.addf %dot_general3A_188, %add3A_189 : vector<128x8xf32>
    %add3A_191 = vector.broadcast %broadcast_in_dim3A_40 : vector<1x8xf32> to vector<128x8xf32>
    %add3A_192 = arith.addf %add3A_190, %add3A_191 : vector<128x8xf32>
    %mul3A_193 = arith.mulf %slice3A_186, %add3A_192 : vector<128x8xf32>
    %reduce_sum3A_194 = arith.constant dense<0.000000e+00> : vector<128xf32>
    %reduce_sum3A_195 = vector.multi_reduction <add>, %mul3A_193, %reduce_sum3A_194 [1] : vector<128x8xf32> to vector<128xf32>
    %broadcast_in_dim3A_196 = vector.shape_cast %reduce_sum3A_195 : vector<128xf32> to vector<128x1xf32>
    %slice3A_197 = vector.extract_strided_slice %add3A_190 {offsets = [127, 0], sizes = [1, 8], strides = [1, 1]} : vector<128x8xf32> to vector<1x8xf32>
    %slice3A_198 = vector.extract_strided_slice %convert_element_type3A_42 {offsets = [1664, 0], sizes = [128, 8], strides = [1, 1]} : vector<2048x8xf32> to vector<128x8xf32>
    %dot_general3A_199 = arith.constant dense<0.000000e+00> : vector<128x8xf32>
    %dot_general3A_200 = tpu.matmul %convert_element_type3A_38, %slice3A_198, %dot_general3A_199 {dimension_numbers = #tpu.dot_dimension_numbers<[1], [0], [0], [1], [0, 0, 1, 1], [], []>, transpose_lhs_hint = false} : vector<128x128xf32>, vector<128x8xf32>, vector<128x8xf32> -> vector<128x8xf32>
    %add3A_201 = vector.broadcast %slice3A_197 : vector<1x8xf32> to vector<128x8xf32>
    %add3A_202 = arith.addf %dot_general3A_200, %add3A_201 : vector<128x8xf32>
    %add3A_203 = vector.broadcast %broadcast_in_dim3A_40 : vector<1x8xf32> to vector<128x8xf32>
    %add3A_204 = arith.addf %add3A_202, %add3A_203 : vector<128x8xf32>
    %mul3A_205 = arith.mulf %slice3A_198, %add3A_204 : vector<128x8xf32>
    %reduce_sum3A_206 = arith.constant dense<0.000000e+00> : vector<128xf32>
    %reduce_sum3A_207 = vector.multi_reduction <add>, %mul3A_205, %reduce_sum3A_206 [1] : vector<128x8xf32> to vector<128xf32>
    %broadcast_in_dim3A_208 = vector.shape_cast %reduce_sum3A_207 : vector<128xf32> to vector<128x1xf32>
    %slice3A_209 = vector.extract_strided_slice %add3A_202 {offsets = [127, 0], sizes = [1, 8], strides = [1, 1]} : vector<128x8xf32> to vector<1x8xf32>
    %slice3A_210 = vector.extract_strided_slice %convert_element_type3A_42 {offsets = [1792, 0], sizes = [128, 8], strides = [1, 1]} : vector<2048x8xf32> to vector<128x8xf32>
    %dot_general3A_211 = arith.constant dense<0.000000e+00> : vector<128x8xf32>
    %dot_general3A_212 = tpu.matmul %convert_element_type3A_38, %slice3A_210, %dot_general3A_211 {dimension_numbers = #tpu.dot_dimension_numbers<[1], [0], [0], [1], [0, 0, 1, 1], [], []>, transpose_lhs_hint = false} : vector<128x128xf32>, vector<128x8xf32>, vector<128x8xf32> -> vector<128x8xf32>
    %add3A_213 = vector.broadcast %slice3A_209 : vector<1x8xf32> to vector<128x8xf32>
    %add3A_214 = arith.addf %dot_general3A_212, %add3A_213 : vector<128x8xf32>
    %add3A_215 = vector.broadcast %broadcast_in_dim3A_40 : vector<1x8xf32> to vector<128x8xf32>
    %add3A_216 = arith.addf %add3A_214, %add3A_215 : vector<128x8xf32>
    %mul3A_217 = arith.mulf %slice3A_210, %add3A_216 : vector<128x8xf32>
    %reduce_sum3A_218 = arith.constant dense<0.000000e+00> : vector<128xf32>
    %reduce_sum3A_219 = vector.multi_reduction <add>, %mul3A_217, %reduce_sum3A_218 [1] : vector<128x8xf32> to vector<128xf32>
    %broadcast_in_dim3A_220 = vector.shape_cast %reduce_sum3A_219 : vector<128xf32> to vector<128x1xf32>
    %slice3A_221 = vector.extract_strided_slice %add3A_214 {offsets = [127, 0], sizes = [1, 8], strides = [1, 1]} : vector<128x8xf32> to vector<1x8xf32>
    %slice3A_222 = vector.extract_strided_slice %convert_element_type3A_42 {offsets = [1920, 0], sizes = [128, 8], strides = [1, 1]} : vector<2048x8xf32> to vector<128x8xf32>
    %dot_general3A_223 = arith.constant dense<0.000000e+00> : vector<128x8xf32>
    %dot_general3A_224 = tpu.matmul %convert_element_type3A_38, %slice3A_222, %dot_general3A_223 {dimension_numbers = #tpu.dot_dimension_numbers<[1], [0], [0], [1], [0, 0, 1, 1], [], []>, transpose_lhs_hint = false} : vector<128x128xf32>, vector<128x8xf32>, vector<128x8xf32> -> vector<128x8xf32>
    %add3A_225 = vector.broadcast %slice3A_221 : vector<1x8xf32> to vector<128x8xf32>
    %add3A_226 = arith.addf %dot_general3A_224, %add3A_225 : vector<128x8xf32>
    %add3A_227 = vector.broadcast %broadcast_in_dim3A_40 : vector<1x8xf32> to vector<128x8xf32>
    %add3A_228 = arith.addf %add3A_226, %add3A_227 : vector<128x8xf32>
    %mul3A_229 = arith.mulf %slice3A_222, %add3A_228 : vector<128x8xf32>
    %reduce_sum3A_230 = arith.constant dense<0.000000e+00> : vector<128xf32>
    %reduce_sum3A_231 = vector.multi_reduction <add>, %mul3A_229, %reduce_sum3A_230 [1] : vector<128x8xf32> to vector<128xf32>
    %broadcast_in_dim3A_232 = vector.shape_cast %reduce_sum3A_231 : vector<128xf32> to vector<128x1xf32>
    %slice3A_233 = vector.extract_strided_slice %add3A_226 {offsets = [127, 0], sizes = [1, 8], strides = [1, 1]} : vector<128x8xf32> to vector<1x8xf32>
    %concatenate3A = tpu.concatenate %broadcast_in_dim3A_52, %broadcast_in_dim3A_64, %broadcast_in_dim3A_76, %broadcast_in_dim3A_88, %broadcast_in_dim3A_100, %broadcast_in_dim3A_112, %broadcast_in_dim3A_124, %broadcast_in_dim3A_136, %broadcast_in_dim3A_148, %broadcast_in_dim3A_160, %broadcast_in_dim3A_172, %broadcast_in_dim3A_184, %broadcast_in_dim3A_196, %broadcast_in_dim3A_208, %broadcast_in_dim3A_220, %broadcast_in_dim3A_232 in 0 : vector<128x1xf32>, vector<128x1xf32>, vector<128x1xf32>, vector<128x1xf32>, vector<128x1xf32>, vector<128x1xf32>, vector<128x1xf32>, vector<128x1xf32>, vector<128x1xf32>, vector<128x1xf32>, vector<128x1xf32>, vector<128x1xf32>, vector<128x1xf32>, vector<128x1xf32>, vector<128x1xf32>, vector<128x1xf32> -> vector<2048x1xf32>
    %sub3A_234 = arith.constant 1.000000e+00 : f32
    %sub3A_235 = vector.broadcast %sub3A_234 : f32 to vector<2048x1xf32>
    %sub3A_236 = arith.subf %concatenate3A, %sub3A_235 : vector<2048x1xf32>
    %convert_element_type3A_237 = arith.extui %eq3A_28 : vector<2048x8xi1> to vector<2048x8xi32>
    %convert_element_type3A_238 = arith.sitofp %convert_element_type3A_237 : vector<2048x8xi32> to vector<2048x8xf32>
    %broadcast_in_dim3A_239 = arith.constant 0.000000e+00 : f32
    %broadcast_in_dim3A_240 = vector.broadcast %broadcast_in_dim3A_239 : f32 to vector<1x8xf32>
    %slice3A_241 = vector.extract_strided_slice %convert_element_type3A_238 {offsets = [0, 0], sizes = [128, 8], strides = [1, 1]} : vector<2048x8xf32> to vector<128x8xf32>
    %dot_general3A_242 = arith.constant dense<0.000000e+00> : vector<128x8xf32>
    %dot_general3A_243 = tpu.matmul %convert_element_type3A_38, %slice3A_241, %dot_general3A_242 {dimension_numbers = #tpu.dot_dimension_numbers<[1], [0], [0], [1], [0, 0, 1, 1], [], []>, transpose_lhs_hint = false} : vector<128x128xf32>, vector<128x8xf32>, vector<128x8xf32> -> vector<128x8xf32>
    %add3A_244 = vector.broadcast %broadcast_in_dim3A_240 : vector<1x8xf32> to vector<128x8xf32>
    %add3A_245 = arith.addf %dot_general3A_243, %add3A_244 : vector<128x8xf32>
    %add3A_246 = vector.broadcast %slice3A_233 : vector<1x8xf32> to vector<128x8xf32>
    %add3A_247 = arith.addf %add3A_245, %add3A_246 : vector<128x8xf32>
    %mul3A_248 = arith.mulf %slice3A_241, %add3A_247 : vector<128x8xf32>
    %reduce_sum3A_249 = arith.constant dense<0.000000e+00> : vector<128xf32>
    %reduce_sum3A_250 = vector.multi_reduction <add>, %mul3A_248, %reduce_sum3A_249 [1] : vector<128x8xf32> to vector<128xf32>
    %broadcast_in_dim3A_251 = vector.shape_cast %reduce_sum3A_250 : vector<128xf32> to vector<128x1xf32>
    %slice3A_252 = vector.extract_strided_slice %add3A_245 {offsets = [127, 0], sizes = [1, 8], strides = [1, 1]} : vector<128x8xf32> to vector<1x8xf32>
    %slice3A_253 = vector.extract_strided_slice %convert_element_type3A_238 {offsets = [128, 0], sizes = [128, 8], strides = [1, 1]} : vector<2048x8xf32> to vector<128x8xf32>
    %dot_general3A_254 = arith.constant dense<0.000000e+00> : vector<128x8xf32>
    %dot_general3A_255 = tpu.matmul %convert_element_type3A_38, %slice3A_253, %dot_general3A_254 {dimension_numbers = #tpu.dot_dimension_numbers<[1], [0], [0], [1], [0, 0, 1, 1], [], []>, transpose_lhs_hint = false} : vector<128x128xf32>, vector<128x8xf32>, vector<128x8xf32> -> vector<128x8xf32>
    %add3A_256 = vector.broadcast %slice3A_252 : vector<1x8xf32> to vector<128x8xf32>
    %add3A_257 = arith.addf %dot_general3A_255, %add3A_256 : vector<128x8xf32>
    %add3A_258 = vector.broadcast %slice3A_233 : vector<1x8xf32> to vector<128x8xf32>
    %add3A_259 = arith.addf %add3A_257, %add3A_258 : vector<128x8xf32>
    %mul3A_260 = arith.mulf %slice3A_253, %add3A_259 : vector<128x8xf32>
    %reduce_sum3A_261 = arith.constant dense<0.000000e+00> : vector<128xf32>
    %reduce_sum3A_262 = vector.multi_reduction <add>, %mul3A_260, %reduce_sum3A_261 [1] : vector<128x8xf32> to vector<128xf32>
    %broadcast_in_dim3A_263 = vector.shape_cast %reduce_sum3A_262 : vector<128xf32> to vector<128x1xf32>
    %slice3A_264 = vector.extract_strided_slice %add3A_257 {offsets = [127, 0], sizes = [1, 8], strides = [1, 1]} : vector<128x8xf32> to vector<1x8xf32>
    %slice3A_265 = vector.extract_strided_slice %convert_element_type3A_238 {offsets = [256, 0], sizes = [128, 8], strides = [1, 1]} : vector<2048x8xf32> to vector<128x8xf32>
    %dot_general3A_266 = arith.constant dense<0.000000e+00> : vector<128x8xf32>
    %dot_general3A_267 = tpu.matmul %convert_element_type3A_38, %slice3A_265, %dot_general3A_266 {dimension_numbers = #tpu.dot_dimension_numbers<[1], [0], [0], [1], [0, 0, 1, 1], [], []>, transpose_lhs_hint = false} : vector<128x128xf32>, vector<128x8xf32>, vector<128x8xf32> -> vector<128x8xf32>
    %add3A_268 = vector.broadcast %slice3A_264 : vector<1x8xf32> to vector<128x8xf32>
    %add3A_269 = arith.addf %dot_general3A_267, %add3A_268 : vector<128x8xf32>
    %add3A_270 = vector.broadcast %slice3A_233 : vector<1x8xf32> to vector<128x8xf32>
    %add3A_271 = arith.addf %add3A_269, %add3A_270 : vector<128x8xf32>
    %mul3A_272 = arith.mulf %slice3A_265, %add3A_271 : vector<128x8xf32>
    %reduce_sum3A_273 = arith.constant dense<0.000000e+00> : vector<128xf32>
    %reduce_sum3A_274 = vector.multi_reduction <add>, %mul3A_272, %reduce_sum3A_273 [1] : vector<128x8xf32> to vector<128xf32>
    %broadcast_in_dim3A_275 = vector.shape_cast %reduce_sum3A_274 : vector<128xf32> to vector<128x1xf32>
    %slice3A_276 = vector.extract_strided_slice %add3A_269 {offsets = [127, 0], sizes = [1, 8], strides = [1, 1]} : vector<128x8xf32> to vector<1x8xf32>
    %slice3A_277 = vector.extract_strided_slice %convert_element_type3A_238 {offsets = [384, 0], sizes = [128, 8], strides = [1, 1]} : vector<2048x8xf32> to vector<128x8xf32>
    %dot_general3A_278 = arith.constant dense<0.000000e+00> : vector<128x8xf32>
    %dot_general3A_279 = tpu.matmul %convert_element_type3A_38, %slice3A_277, %dot_general3A_278 {dimension_numbers = #tpu.dot_dimension_numbers<[1], [0], [0], [1], [0, 0, 1, 1], [], []>, transpose_lhs_hint = false} : vector<128x128xf32>, vector<128x8xf32>, vector<128x8xf32> -> vector<128x8xf32>
    %add3A_280 = vector.broadcast %slice3A_276 : vector<1x8xf32> to vector<128x8xf32>
    %add3A_281 = arith.addf %dot_general3A_279, %add3A_280 : vector<128x8xf32>
    %add3A_282 = vector.broadcast %slice3A_233 : vector<1x8xf32> to vector<128x8xf32>
    %add3A_283 = arith.addf %add3A_281, %add3A_282 : vector<128x8xf32>
    %mul3A_284 = arith.mulf %slice3A_277, %add3A_283 : vector<128x8xf32>
    %reduce_sum3A_285 = arith.constant dense<0.000000e+00> : vector<128xf32>
    %reduce_sum3A_286 = vector.multi_reduction <add>, %mul3A_284, %reduce_sum3A_285 [1] : vector<128x8xf32> to vector<128xf32>
    %broadcast_in_dim3A_287 = vector.shape_cast %reduce_sum3A_286 : vector<128xf32> to vector<128x1xf32>
    %slice3A_288 = vector.extract_strided_slice %add3A_281 {offsets = [127, 0], sizes = [1, 8], strides = [1, 1]} : vector<128x8xf32> to vector<1x8xf32>
    %slice3A_289 = vector.extract_strided_slice %convert_element_type3A_238 {offsets = [512, 0], sizes = [128, 8], strides = [1, 1]} : vector<2048x8xf32> to vector<128x8xf32>
    %dot_general3A_290 = arith.constant dense<0.000000e+00> : vector<128x8xf32>
    %dot_general3A_291 = tpu.matmul %convert_element_type3A_38, %slice3A_289, %dot_general3A_290 {dimension_numbers = #tpu.dot_dimension_numbers<[1], [0], [0], [1], [0, 0, 1, 1], [], []>, transpose_lhs_hint = false} : vector<128x128xf32>, vector<128x8xf32>, vector<128x8xf32> -> vector<128x8xf32>
    %add3A_292 = vector.broadcast %slice3A_288 : vector<1x8xf32> to vector<128x8xf32>
    %add3A_293 = arith.addf %dot_general3A_291, %add3A_292 : vector<128x8xf32>
    %add3A_294 = vector.broadcast %slice3A_233 : vector<1x8xf32> to vector<128x8xf32>
    %add3A_295 = arith.addf %add3A_293, %add3A_294 : vector<128x8xf32>
    %mul3A_296 = arith.mulf %slice3A_289, %add3A_295 : vector<128x8xf32>
    %reduce_sum3A_297 = arith.constant dense<0.000000e+00> : vector<128xf32>
    %reduce_sum3A_298 = vector.multi_reduction <add>, %mul3A_296, %reduce_sum3A_297 [1] : vector<128x8xf32> to vector<128xf32>
    %broadcast_in_dim3A_299 = vector.shape_cast %reduce_sum3A_298 : vector<128xf32> to vector<128x1xf32>
    %slice3A_300 = vector.extract_strided_slice %add3A_293 {offsets = [127, 0], sizes = [1, 8], strides = [1, 1]} : vector<128x8xf32> to vector<1x8xf32>
    %slice3A_301 = vector.extract_strided_slice %convert_element_type3A_238 {offsets = [640, 0], sizes = [128, 8], strides = [1, 1]} : vector<2048x8xf32> to vector<128x8xf32>
    %dot_general3A_302 = arith.constant dense<0.000000e+00> : vector<128x8xf32>
    %dot_general3A_303 = tpu.matmul %convert_element_type3A_38, %slice3A_301, %dot_general3A_302 {dimension_numbers = #tpu.dot_dimension_numbers<[1], [0], [0], [1], [0, 0, 1, 1], [], []>, transpose_lhs_hint = false} : vector<128x128xf32>, vector<128x8xf32>, vector<128x8xf32> -> vector<128x8xf32>
    %add3A_304 = vector.broadcast %slice3A_300 : vector<1x8xf32> to vector<128x8xf32>
    %add3A_305 = arith.addf %dot_general3A_303, %add3A_304 : vector<128x8xf32>
    %add3A_306 = vector.broadcast %slice3A_233 : vector<1x8xf32> to vector<128x8xf32>
    %add3A_307 = arith.addf %add3A_305, %add3A_306 : vector<128x8xf32>
    %mul3A_308 = arith.mulf %slice3A_301, %add3A_307 : vector<128x8xf32>
    %reduce_sum3A_309 = arith.constant dense<0.000000e+00> : vector<128xf32>
    %reduce_sum3A_310 = vector.multi_reduction <add>, %mul3A_308, %reduce_sum3A_309 [1] : vector<128x8xf32> to vector<128xf32>
    %broadcast_in_dim3A_311 = vector.shape_cast %reduce_sum3A_310 : vector<128xf32> to vector<128x1xf32>
    %slice3A_312 = vector.extract_strided_slice %add3A_305 {offsets = [127, 0], sizes = [1, 8], strides = [1, 1]} : vector<128x8xf32> to vector<1x8xf32>
    %slice3A_313 = vector.extract_strided_slice %convert_element_type3A_238 {offsets = [768, 0], sizes = [128, 8], strides = [1, 1]} : vector<2048x8xf32> to vector<128x8xf32>
    %dot_general3A_314 = arith.constant dense<0.000000e+00> : vector<128x8xf32>
    %dot_general3A_315 = tpu.matmul %convert_element_type3A_38, %slice3A_313, %dot_general3A_314 {dimension_numbers = #tpu.dot_dimension_numbers<[1], [0], [0], [1], [0, 0, 1, 1], [], []>, transpose_lhs_hint = false} : vector<128x128xf32>, vector<128x8xf32>, vector<128x8xf32> -> vector<128x8xf32>
    %add3A_316 = vector.broadcast %slice3A_312 : vector<1x8xf32> to vector<128x8xf32>
    %add3A_317 = arith.addf %dot_general3A_315, %add3A_316 : vector<128x8xf32>
    %add3A_318 = vector.broadcast %slice3A_233 : vector<1x8xf32> to vector<128x8xf32>
    %add3A_319 = arith.addf %add3A_317, %add3A_318 : vector<128x8xf32>
    %mul3A_320 = arith.mulf %slice3A_313, %add3A_319 : vector<128x8xf32>
    %reduce_sum3A_321 = arith.constant dense<0.000000e+00> : vector<128xf32>
    %reduce_sum3A_322 = vector.multi_reduction <add>, %mul3A_320, %reduce_sum3A_321 [1] : vector<128x8xf32> to vector<128xf32>
    %broadcast_in_dim3A_323 = vector.shape_cast %reduce_sum3A_322 : vector<128xf32> to vector<128x1xf32>
    %slice3A_324 = vector.extract_strided_slice %add3A_317 {offsets = [127, 0], sizes = [1, 8], strides = [1, 1]} : vector<128x8xf32> to vector<1x8xf32>
    %slice3A_325 = vector.extract_strided_slice %convert_element_type3A_238 {offsets = [896, 0], sizes = [128, 8], strides = [1, 1]} : vector<2048x8xf32> to vector<128x8xf32>
    %dot_general3A_326 = arith.constant dense<0.000000e+00> : vector<128x8xf32>
    %dot_general3A_327 = tpu.matmul %convert_element_type3A_38, %slice3A_325, %dot_general3A_326 {dimension_numbers = #tpu.dot_dimension_numbers<[1], [0], [0], [1], [0, 0, 1, 1], [], []>, transpose_lhs_hint = false} : vector<128x128xf32>, vector<128x8xf32>, vector<128x8xf32> -> vector<128x8xf32>
    %add3A_328 = vector.broadcast %slice3A_324 : vector<1x8xf32> to vector<128x8xf32>
    %add3A_329 = arith.addf %dot_general3A_327, %add3A_328 : vector<128x8xf32>
    %add3A_330 = vector.broadcast %slice3A_233 : vector<1x8xf32> to vector<128x8xf32>
    %add3A_331 = arith.addf %add3A_329, %add3A_330 : vector<128x8xf32>
    %mul3A_332 = arith.mulf %slice3A_325, %add3A_331 : vector<128x8xf32>
    %reduce_sum3A_333 = arith.constant dense<0.000000e+00> : vector<128xf32>
    %reduce_sum3A_334 = vector.multi_reduction <add>, %mul3A_332, %reduce_sum3A_333 [1] : vector<128x8xf32> to vector<128xf32>
    %broadcast_in_dim3A_335 = vector.shape_cast %reduce_sum3A_334 : vector<128xf32> to vector<128x1xf32>
    %slice3A_336 = vector.extract_strided_slice %add3A_329 {offsets = [127, 0], sizes = [1, 8], strides = [1, 1]} : vector<128x8xf32> to vector<1x8xf32>
    %slice3A_337 = vector.extract_strided_slice %convert_element_type3A_238 {offsets = [1024, 0], sizes = [128, 8], strides = [1, 1]} : vector<2048x8xf32> to vector<128x8xf32>
    %dot_general3A_338 = arith.constant dense<0.000000e+00> : vector<128x8xf32>
    %dot_general3A_339 = tpu.matmul %convert_element_type3A_38, %slice3A_337, %dot_general3A_338 {dimension_numbers = #tpu.dot_dimension_numbers<[1], [0], [0], [1], [0, 0, 1, 1], [], []>, transpose_lhs_hint = false} : vector<128x128xf32>, vector<128x8xf32>, vector<128x8xf32> -> vector<128x8xf32>
    %add3A_340 = vector.broadcast %slice3A_336 : vector<1x8xf32> to vector<128x8xf32>
    %add3A_341 = arith.addf %dot_general3A_339, %add3A_340 : vector<128x8xf32>
    %add3A_342 = vector.broadcast %slice3A_233 : vector<1x8xf32> to vector<128x8xf32>
    %add3A_343 = arith.addf %add3A_341, %add3A_342 : vector<128x8xf32>
    %mul3A_344 = arith.mulf %slice3A_337, %add3A_343 : vector<128x8xf32>
    %reduce_sum3A_345 = arith.constant dense<0.000000e+00> : vector<128xf32>
    %reduce_sum3A_346 = vector.multi_reduction <add>, %mul3A_344, %reduce_sum3A_345 [1] : vector<128x8xf32> to vector<128xf32>
    %broadcast_in_dim3A_347 = vector.shape_cast %reduce_sum3A_346 : vector<128xf32> to vector<128x1xf32>
    %slice3A_348 = vector.extract_strided_slice %add3A_341 {offsets = [127, 0], sizes = [1, 8], strides = [1, 1]} : vector<128x8xf32> to vector<1x8xf32>
    %slice3A_349 = vector.extract_strided_slice %convert_element_type3A_238 {offsets = [1152, 0], sizes = [128, 8], strides = [1, 1]} : vector<2048x8xf32> to vector<128x8xf32>
    %dot_general3A_350 = arith.constant dense<0.000000e+00> : vector<128x8xf32>
    %dot_general3A_351 = tpu.matmul %convert_element_type3A_38, %slice3A_349, %dot_general3A_350 {dimension_numbers = #tpu.dot_dimension_numbers<[1], [0], [0], [1], [0, 0, 1, 1], [], []>, transpose_lhs_hint = false} : vector<128x128xf32>, vector<128x8xf32>, vector<128x8xf32> -> vector<128x8xf32>
    %add3A_352 = vector.broadcast %slice3A_348 : vector<1x8xf32> to vector<128x8xf32>
    %add3A_353 = arith.addf %dot_general3A_351, %add3A_352 : vector<128x8xf32>
    %add3A_354 = vector.broadcast %slice3A_233 : vector<1x8xf32> to vector<128x8xf32>
    %add3A_355 = arith.addf %add3A_353, %add3A_354 : vector<128x8xf32>
    %mul3A_356 = arith.mulf %slice3A_349, %add3A_355 : vector<128x8xf32>
    %reduce_sum3A_357 = arith.constant dense<0.000000e+00> : vector<128xf32>
    %reduce_sum3A_358 = vector.multi_reduction <add>, %mul3A_356, %reduce_sum3A_357 [1] : vector<128x8xf32> to vector<128xf32>
    %broadcast_in_dim3A_359 = vector.shape_cast %reduce_sum3A_358 : vector<128xf32> to vector<128x1xf32>
    %slice3A_360 = vector.extract_strided_slice %add3A_353 {offsets = [127, 0], sizes = [1, 8], strides = [1, 1]} : vector<128x8xf32> to vector<1x8xf32>
    %slice3A_361 = vector.extract_strided_slice %convert_element_type3A_238 {offsets = [1280, 0], sizes = [128, 8], strides = [1, 1]} : vector<2048x8xf32> to vector<128x8xf32>
    %dot_general3A_362 = arith.constant dense<0.000000e+00> : vector<128x8xf32>
    %dot_general3A_363 = tpu.matmul %convert_element_type3A_38, %slice3A_361, %dot_general3A_362 {dimension_numbers = #tpu.dot_dimension_numbers<[1], [0], [0], [1], [0, 0, 1, 1], [], []>, transpose_lhs_hint = false} : vector<128x128xf32>, vector<128x8xf32>, vector<128x8xf32> -> vector<128x8xf32>
    %add3A_364 = vector.broadcast %slice3A_360 : vector<1x8xf32> to vector<128x8xf32>
    %add3A_365 = arith.addf %dot_general3A_363, %add3A_364 : vector<128x8xf32>
    %add3A_366 = vector.broadcast %slice3A_233 : vector<1x8xf32> to vector<128x8xf32>
    %add3A_367 = arith.addf %add3A_365, %add3A_366 : vector<128x8xf32>
    %mul3A_368 = arith.mulf %slice3A_361, %add3A_367 : vector<128x8xf32>
    %reduce_sum3A_369 = arith.constant dense<0.000000e+00> : vector<128xf32>
    %reduce_sum3A_370 = vector.multi_reduction <add>, %mul3A_368, %reduce_sum3A_369 [1] : vector<128x8xf32> to vector<128xf32>
    %broadcast_in_dim3A_371 = vector.shape_cast %reduce_sum3A_370 : vector<128xf32> to vector<128x1xf32>
    %slice3A_372 = vector.extract_strided_slice %add3A_365 {offsets = [127, 0], sizes = [1, 8], strides = [1, 1]} : vector<128x8xf32> to vector<1x8xf32>
    %slice3A_373 = vector.extract_strided_slice %convert_element_type3A_238 {offsets = [1408, 0], sizes = [128, 8], strides = [1, 1]} : vector<2048x8xf32> to vector<128x8xf32>
    %dot_general3A_374 = arith.constant dense<0.000000e+00> : vector<128x8xf32>
    %dot_general3A_375 = tpu.matmul %convert_element_type3A_38, %slice3A_373, %dot_general3A_374 {dimension_numbers = #tpu.dot_dimension_numbers<[1], [0], [0], [1], [0, 0, 1, 1], [], []>, transpose_lhs_hint = false} : vector<128x128xf32>, vector<128x8xf32>, vector<128x8xf32> -> vector<128x8xf32>
    %add3A_376 = vector.broadcast %slice3A_372 : vector<1x8xf32> to vector<128x8xf32>
    %add3A_377 = arith.addf %dot_general3A_375, %add3A_376 : vector<128x8xf32>
    %add3A_378 = vector.broadcast %slice3A_233 : vector<1x8xf32> to vector<128x8xf32>
    %add3A_379 = arith.addf %add3A_377, %add3A_378 : vector<128x8xf32>
    %mul3A_380 = arith.mulf %slice3A_373, %add3A_379 : vector<128x8xf32>
    %reduce_sum3A_381 = arith.constant dense<0.000000e+00> : vector<128xf32>
    %reduce_sum3A_382 = vector.multi_reduction <add>, %mul3A_380, %reduce_sum3A_381 [1] : vector<128x8xf32> to vector<128xf32>
    %broadcast_in_dim3A_383 = vector.shape_cast %reduce_sum3A_382 : vector<128xf32> to vector<128x1xf32>
    %slice3A_384 = vector.extract_strided_slice %add3A_377 {offsets = [127, 0], sizes = [1, 8], strides = [1, 1]} : vector<128x8xf32> to vector<1x8xf32>
    %slice3A_385 = vector.extract_strided_slice %convert_element_type3A_238 {offsets = [1536, 0], sizes = [128, 8], strides = [1, 1]} : vector<2048x8xf32> to vector<128x8xf32>
    %dot_general3A_386 = arith.constant dense<0.000000e+00> : vector<128x8xf32>
    %dot_general3A_387 = tpu.matmul %convert_element_type3A_38, %slice3A_385, %dot_general3A_386 {dimension_numbers = #tpu.dot_dimension_numbers<[1], [0], [0], [1], [0, 0, 1, 1], [], []>, transpose_lhs_hint = false} : vector<128x128xf32>, vector<128x8xf32>, vector<128x8xf32> -> vector<128x8xf32>
    %add3A_388 = vector.broadcast %slice3A_384 : vector<1x8xf32> to vector<128x8xf32>
    %add3A_389 = arith.addf %dot_general3A_387, %add3A_388 : vector<128x8xf32>
    %add3A_390 = vector.broadcast %slice3A_233 : vector<1x8xf32> to vector<128x8xf32>
    %add3A_391 = arith.addf %add3A_389, %add3A_390 : vector<128x8xf32>
    %mul3A_392 = arith.mulf %slice3A_385, %add3A_391 : vector<128x8xf32>
    %reduce_sum3A_393 = arith.constant dense<0.000000e+00> : vector<128xf32>
    %reduce_sum3A_394 = vector.multi_reduction <add>, %mul3A_392, %reduce_sum3A_393 [1] : vector<128x8xf32> to vector<128xf32>
    %broadcast_in_dim3A_395 = vector.shape_cast %reduce_sum3A_394 : vector<128xf32> to vector<128x1xf32>
    %slice3A_396 = vector.extract_strided_slice %add3A_389 {offsets = [127, 0], sizes = [1, 8], strides = [1, 1]} : vector<128x8xf32> to vector<1x8xf32>
    %slice3A_397 = vector.extract_strided_slice %convert_element_type3A_238 {offsets = [1664, 0], sizes = [128, 8], strides = [1, 1]} : vector<2048x8xf32> to vector<128x8xf32>
    %dot_general3A_398 = arith.constant dense<0.000000e+00> : vector<128x8xf32>
    %dot_general3A_399 = tpu.matmul %convert_element_type3A_38, %slice3A_397, %dot_general3A_398 {dimension_numbers = #tpu.dot_dimension_numbers<[1], [0], [0], [1], [0, 0, 1, 1], [], []>, transpose_lhs_hint = false} : vector<128x128xf32>, vector<128x8xf32>, vector<128x8xf32> -> vector<128x8xf32>
    %add3A_400 = vector.broadcast %slice3A_396 : vector<1x8xf32> to vector<128x8xf32>
    %add3A_401 = arith.addf %dot_general3A_399, %add3A_400 : vector<128x8xf32>
    %add3A_402 = vector.broadcast %slice3A_233 : vector<1x8xf32> to vector<128x8xf32>
    %add3A_403 = arith.addf %add3A_401, %add3A_402 : vector<128x8xf32>
    %mul3A_404 = arith.mulf %slice3A_397, %add3A_403 : vector<128x8xf32>
    %reduce_sum3A_405 = arith.constant dense<0.000000e+00> : vector<128xf32>
    %reduce_sum3A_406 = vector.multi_reduction <add>, %mul3A_404, %reduce_sum3A_405 [1] : vector<128x8xf32> to vector<128xf32>
    %broadcast_in_dim3A_407 = vector.shape_cast %reduce_sum3A_406 : vector<128xf32> to vector<128x1xf32>
    %slice3A_408 = vector.extract_strided_slice %add3A_401 {offsets = [127, 0], sizes = [1, 8], strides = [1, 1]} : vector<128x8xf32> to vector<1x8xf32>
    %slice3A_409 = vector.extract_strided_slice %convert_element_type3A_238 {offsets = [1792, 0], sizes = [128, 8], strides = [1, 1]} : vector<2048x8xf32> to vector<128x8xf32>
    %dot_general3A_410 = arith.constant dense<0.000000e+00> : vector<128x8xf32>
    %dot_general3A_411 = tpu.matmul %convert_element_type3A_38, %slice3A_409, %dot_general3A_410 {dimension_numbers = #tpu.dot_dimension_numbers<[1], [0], [0], [1], [0, 0, 1, 1], [], []>, transpose_lhs_hint = false} : vector<128x128xf32>, vector<128x8xf32>, vector<128x8xf32> -> vector<128x8xf32>
    %add3A_412 = vector.broadcast %slice3A_408 : vector<1x8xf32> to vector<128x8xf32>
    %add3A_413 = arith.addf %dot_general3A_411, %add3A_412 : vector<128x8xf32>
    %add3A_414 = vector.broadcast %slice3A_233 : vector<1x8xf32> to vector<128x8xf32>
    %add3A_415 = arith.addf %add3A_413, %add3A_414 : vector<128x8xf32>
    %mul3A_416 = arith.mulf %slice3A_409, %add3A_415 : vector<128x8xf32>
    %reduce_sum3A_417 = arith.constant dense<0.000000e+00> : vector<128xf32>
    %reduce_sum3A_418 = vector.multi_reduction <add>, %mul3A_416, %reduce_sum3A_417 [1] : vector<128x8xf32> to vector<128xf32>
    %broadcast_in_dim3A_419 = vector.shape_cast %reduce_sum3A_418 : vector<128xf32> to vector<128x1xf32>
    %slice3A_420 = vector.extract_strided_slice %add3A_413 {offsets = [127, 0], sizes = [1, 8], strides = [1, 1]} : vector<128x8xf32> to vector<1x8xf32>
    %slice3A_421 = vector.extract_strided_slice %convert_element_type3A_238 {offsets = [1920, 0], sizes = [128, 8], strides = [1, 1]} : vector<2048x8xf32> to vector<128x8xf32>
    %dot_general3A_422 = arith.constant dense<0.000000e+00> : vector<128x8xf32>
    %dot_general3A_423 = tpu.matmul %convert_element_type3A_38, %slice3A_421, %dot_general3A_422 {dimension_numbers = #tpu.dot_dimension_numbers<[1], [0], [0], [1], [0, 0, 1, 1], [], []>, transpose_lhs_hint = false} : vector<128x128xf32>, vector<128x8xf32>, vector<128x8xf32> -> vector<128x8xf32>
    %add3A_424 = vector.broadcast %slice3A_420 : vector<1x8xf32> to vector<128x8xf32>
    %add3A_425 = arith.addf %dot_general3A_423, %add3A_424 : vector<128x8xf32>
    %add3A_426 = vector.broadcast %slice3A_233 : vector<1x8xf32> to vector<128x8xf32>
    %add3A_427 = arith.addf %add3A_425, %add3A_426 : vector<128x8xf32>
    %mul3A_428 = arith.mulf %slice3A_421, %add3A_427 : vector<128x8xf32>
    %reduce_sum3A_429 = arith.constant dense<0.000000e+00> : vector<128xf32>
    %reduce_sum3A_430 = vector.multi_reduction <add>, %mul3A_428, %reduce_sum3A_429 [1] : vector<128x8xf32> to vector<128xf32>
    %broadcast_in_dim3A_431 = vector.shape_cast %reduce_sum3A_430 : vector<128xf32> to vector<128x1xf32>
    %concatenate3A_432 = tpu.concatenate %broadcast_in_dim3A_251, %broadcast_in_dim3A_263, %broadcast_in_dim3A_275, %broadcast_in_dim3A_287, %broadcast_in_dim3A_299, %broadcast_in_dim3A_311, %broadcast_in_dim3A_323, %broadcast_in_dim3A_335, %broadcast_in_dim3A_347, %broadcast_in_dim3A_359, %broadcast_in_dim3A_371, %broadcast_in_dim3A_383, %broadcast_in_dim3A_395, %broadcast_in_dim3A_407, %broadcast_in_dim3A_419, %broadcast_in_dim3A_431 in 0 : vector<128x1xf32>, vector<128x1xf32>, vector<128x1xf32>, vector<128x1xf32>, vector<128x1xf32>, vector<128x1xf32>, vector<128x1xf32>, vector<128x1xf32>, vector<128x1xf32>, vector<128x1xf32>, vector<128x1xf32>, vector<128x1xf32>, vector<128x1xf32>, vector<128x1xf32>, vector<128x1xf32>, vector<128x1xf32> -> vector<2048x1xf32>
    %sub3A_433 = arith.constant 1.000000e+00 : f32
    %sub3A_434 = vector.broadcast %sub3A_433 : f32 to vector<2048x1xf32>
    %sub3A_435 = arith.subf %concatenate3A_432, %sub3A_434 : vector<2048x1xf32>
    %convert_element_type3A_436 = arith.fptosi %sub3A_236 : vector<2048x1xf32> to vector<2048x1xi32>
    %convert_element_type3A_437 = arith.fptosi %sub3A_435 : vector<2048x1xf32> to vector<2048x1xi32>
    %lt3A = arith.constant 640 : i32
    %lt3A_438 = vector.broadcast %lt3A : i32 to vector<2048x1xi32>
    %lt3A_439 = arith.cmpi slt, %convert_element_type3A_436, %lt3A_438 : vector<2048x1xi32>
    %mul3A_440 = arith.constant 640 : i32
    %mul3A_441 = vector.broadcast %mul3A_440 : i32 to vector<2048x1xi32>
    %mul3A_442 = arith.muli %broadcast_in_dim3A_10, %mul3A_441 : vector<2048x1xi32>
    %add3A_443 = arith.addi %mul3A_442, %convert_element_type3A_436 : vector<2048x1xi32>
    %jit3A_444 = arith.constant 5120 : i32
    %broadcast_in_dim3A_445 = vector.broadcast %jit3A_444 : i32 to vector<2048x1xi32>
    %select_n3A_446 = arith.select %lt3A_439, %add3A_443, %broadcast_in_dim3A_445 : vector<2048x1xi1>, vector<2048x1xi32>
    %swap3A = arith.constant 0 : index
    %swap3A_447 = arith.constant 0 : index
    %swap3A_448 = vector.load %arg2[%swap3A, %swap3A_447] : memref<2048x1xi32, #tpu.memory_space<vmem>>, vector<2048x1xi32>
    tpu.vector_store %arg2[%swap3A, %swap3A_447], %select_n3A_446 {strides = array<i32>} : memref<2048x1xi32, #tpu.memory_space<vmem>>, vector<2048x1xi32>,
    %jit3A_449 = arith.constant 0 : i32
    %broadcast_in_dim3A_450 = vector.broadcast %jit3A_449 : i32 to vector<2048x1xi32>
    %select_n3A_451 = arith.select %lt3A_439, %add3A_443, %broadcast_in_dim3A_450 : vector<2048x1xi1>, vector<2048x1xi32>
    %swap3A_452 = arith.constant 0 : index
    %swap3A_453 = arith.constant 0 : index
    %swap3A_454 = vector.load %arg4[%swap3A_452, %swap3A_453] : memref<2048x1xi32, #tpu.memory_space<vmem>>, vector<2048x1xi32>
    tpu.vector_store %arg4[%swap3A_452, %swap3A_453], %select_n3A_451 {strides = array<i32>} : memref<2048x1xi32, #tpu.memory_space<vmem>>, vector<2048x1xi32>,
    %jit3A_455 = arith.constant 0.000000e+00 : f32
    %broadcast_in_dim3A_456 = vector.broadcast %jit3A_455 : f32 to vector<2048x1xf32>
    %select_n3A_457 = arith.select %lt3A_439, %div3A_32, %broadcast_in_dim3A_456 : vector<2048x1xi1>, vector<2048x1xf32>
    %swap3A_458 = arith.constant 0 : index
    %swap3A_459 = arith.constant 0 : index
    %swap3A_460 = vector.load %arg6[%swap3A_458, %swap3A_459] : memref<2048x1xf32, #tpu.memory_space<vmem>>, vector<2048x1xf32>
    tpu.vector_store %arg6[%swap3A_458, %swap3A_459], %select_n3A_457 {strides = array<i32>} : memref<2048x1xf32, #tpu.memory_space<vmem>>, vector<2048x1xf32>,
    %lt3A_461 = arith.constant 640 : i32
    %lt3A_462 = vector.broadcast %lt3A_461 : i32 to vector<2048x1xi32>
    %lt3A_463 = arith.cmpi slt, %convert_element_type3A_437, %lt3A_462 : vector<2048x1xi32>
    %mul3A_464 = arith.constant 640 : i32
    %mul3A_465 = vector.broadcast %mul3A_464 : i32 to vector<2048x1xi32>
    %mul3A_466 = arith.muli %broadcast_in_dim3A_26, %mul3A_465 : vector<2048x1xi32>
    %add3A_467 = arith.addi %mul3A_466, %convert_element_type3A_437 : vector<2048x1xi32>
    %jit3A_468 = arith.constant 5120 : i32
    %broadcast_in_dim3A_469 = vector.broadcast %jit3A_468 : i32 to vector<2048x1xi32>
    %select_n3A_470 = arith.select %lt3A_463, %add3A_467, %broadcast_in_dim3A_469 : vector<2048x1xi1>, vector<2048x1xi32>
    %swap3A_471 = arith.constant 0 : index
    %swap3A_472 = arith.constant 0 : index
    %swap3A_473 = vector.load %arg3[%swap3A_471, %swap3A_472] : memref<2048x1xi32, #tpu.memory_space<vmem>>, vector<2048x1xi32>
    tpu.vector_store %arg3[%swap3A_471, %swap3A_472], %select_n3A_470 {strides = array<i32>} : memref<2048x1xi32, #tpu.memory_space<vmem>>, vector<2048x1xi32>,
    %jit3A_474 = arith.constant 0 : i32
    %broadcast_in_dim3A_475 = vector.broadcast %jit3A_474 : i32 to vector<2048x1xi32>
    %select_n3A_476 = arith.select %lt3A_463, %add3A_467, %broadcast_in_dim3A_475 : vector<2048x1xi1>, vector<2048x1xi32>
    %swap3A_477 = arith.constant 0 : index
    %swap3A_478 = arith.constant 0 : index
    %swap3A_479 = vector.load %arg5[%swap3A_477, %swap3A_478] : memref<2048x1xi32, #tpu.memory_space<vmem>>, vector<2048x1xi32>
    tpu.vector_store %arg5[%swap3A_477, %swap3A_478], %select_n3A_476 {strides = array<i32>} : memref<2048x1xi32, #tpu.memory_space<vmem>>, vector<2048x1xi32>,
    %jit3A_480 = arith.constant 0.000000e+00 : f32
    %broadcast_in_dim3A_481 = vector.broadcast %jit3A_480 : f32 to vector<2048x1xf32>
    %select_n3A_482 = arith.select %lt3A_463, %sub3A_35, %broadcast_in_dim3A_481 : vector<2048x1xi1>, vector<2048x1xf32>
    %swap3A_483 = arith.constant 0 : index
    %swap3A_484 = arith.constant 0 : index
    %swap3A_485 = vector.load %arg7[%swap3A_483, %swap3A_484] : memref<2048x1xf32, #tpu.memory_space<vmem>>, vector<2048x1xf32>
    tpu.vector_store %arg7[%swap3A_483, %swap3A_484], %select_n3A_482 {strides = array<i32>} : memref<2048x1xf32, #tpu.memory_space<vmem>>, vector<2048x1xf32>,
    return
  }
}

</mosaic_0001>

<sc_bundles>
// kernel: kernel.6.cloned.1.call-start
scs
__scs_entry_jumppad:
0x0: {  	(pc) =	sbr.rel $0x88, $3  }
0x1: {  	(tag) =	ssettag $0x0;
	lr =	simm.s32 $0x1  }
0x2: {  	[smem:$0x3F9D] =	sst lr;
	_ =	strace $0xD0000000  }
0x3: {  	_ = 	snop  }
0x4: {  	_ = 	snop  }
0x5: {  	_ = 	snop  }
0x6: {  	_ = 	snop  }
0x7: {  	_ = 	snop  }
__scs_overlays_trampoline_lowered:
0x8: {  	[smem:$0x3FAC] =	sst s0  }
0x9: {  	[smem:$0x3FAD] =	sst s1  }
0xa: {  	[smem:$0x3FAE] =	sst s2  }
0xb: {  	[smem:$0x3FAF] =	sst s3  }
0xc: {  	[smem:$0x3FB0] =	sst s4  }
0xd: {  	[smem:$0x3FB1] =	sst s5  }
0xe: {  	[smem:$0x3FB2] =	sst s6  }
0xf: {  	[smem:$0x3FB3] =	sst s7  }
0x10: {  	[smem:$0x3FB4] =	sst s8  }
0x11: {  	[smem:$0x3FB5] =	sst s9;
	s0 =	simm.s32 @!p0 $0x0  }
0x12: {  	s1 =	sld [smem:$0x3F9B];
	s0 =	simm.s32 @p0 $0x1  }
0x13: {  	[smem:$0x3FB6] =	sst s0;
	s0 =	simm.s32 @!p1 $0x0  }
0x14: {  	s2 =	sld [smem:$0x3F9A];
	s0 =	simm.s32 @p1 $0x1  }
0x15: {  	[smem:$0x3FB7] =	sst s0;
	s0 =	simm.s32 @!p2 $0x0  }
0x16: {  	s3 =	sld [smem:$0x3FDB];
	s0 =	simm.s32 @p2 $0x1  }
0x17: {  	s4 =	simm.s32 $0x1BF5;
	[smem:$0x3FB9] =	sst s0  }
0x18: {  	s0 =	sld [smem:$0x3F9C];
	_ =	swait.ge [sflag:s4], $0x0  }
0x19: {  	s7 =	sld [smem:$0x3F9D]  }
0x1a: {  	s8 =	sadd.s32 $0xFFFFE003, lr  }
0x1b: {  	s9 =	sadd.s32 $0xFFFFFEF7, lr;
	s5 =	simm.s32 $0xFFFFFFFF;
	p2 =	slt.u32 s8, $0xFFFFF086  }
0x1c: {  	p1 =	slt.u32 s9, $0xF7A;
	s5 =	simm.s32 @!p2 $0x0  }
0x1d: {  	s5 =	simm.s32 @p1 $0x1;
	p0 =	seq.s32 s7, s2  }
0x1e: {  	s7 =	smul.u32 @!p0 $0xF7A, s2;
	p2 =	seq.s32 @!p0 s5, $0x0  }
0x1f: {  	s9 =	smul.u32 $0xF7A, s1;
	s8 =	simm.s32 @!p0 $0x1BF5;
	p2 =	por !p2, p0  }
0x20: {  	[sflag:s8] =	ssyncset.s32 @!p0 $0xFFFFF086;
	s6 =	sadd.s32 @!p0 s3, s7;
	s7 =	simm.s32 @!p0 $0x108  }
0x21: {  	s3 =	sadd.s32 s3, s9;
	s6 =	sadd.s32 @!p0 $0x88, s6;
	s7 =	simm.s32 @p2 $0x1082  }
0x22: {  	[simem:s7], [sflag:s8] =	dma.local @!p0 [hbm:s6], $0xF7A  }
0x23: {  	s9 =	sor.u32 $0xD0000000, s2;
	s6 =	simm.s32 $0x108;
	_ =	swait.ge @!p0 [sflag:s8], $0x0  }
0x24: {  	s3 =	sadd.s32 $0x88, s3;
	s6 =	simm.s32 @!p1 $0x1082;
	[sflag:s4] =	ssyncset.s32 $0xFFFFF086  }
0x25: {  	[simem:s6], [sflag:s4] =	dma.local [hbm:s3], $0xF7A  }
0x26: {  	[smem:$0x3F9D] =	sst s1;
	(tag) =	ssettag s2;
	_ =	strace s9  }
0x27: {  	s1 =	sld [smem:$0x3FAD]  }
0x28: {  	s2 =	sld [smem:$0x3FAE]  }
0x29: {  	s4 =	sld [smem:$0x3FB0]  }
0x2a: {  	p0 =	seq.s32 s5, $0x0;
	s5 =	sld [smem:$0x3FB1]  }
0x2b: {  	s6 =	sld [smem:$0x3FB2]  }
0x2c: {  	s7 =	sld [smem:$0x3FB3]  }
0x2d: {  	s3 =	simm.s32 $0x108;
	s8 =	sld [smem:$0x3FB4]  }
0x2e: {  	s3 =	simm.s32 @!p0 $0x1082;
	s9 =	sld [smem:$0x3FB5]  }
0x2f: {  	lr =	sadd.s32 s0, s3;
	s0 =	sld [smem:$0x3FAC]  }
0x30: {  	s3 =	sld [smem:$0x3FAF]  }
0x31: {  	[smem:$0x3FB8] =	sst s10  }
0x32: {  	s10 =	sld [smem:$0x3FB6];
	_ =	sdelay $0x3  }
0x33: {  	p0 =	seq.s32 s10, $0x1;
	s10 =	sld [smem:$0x3FB8];
	_ =	sdelay $0x3  }
0x34: {  	[smem:$0x3FB8] =	sst s10  }
0x35: {  	s10 =	sld [smem:$0x3FB7];
	_ =	sdelay $0x3  }
0x36: {  	p1 =	seq.s32 s10, $0x1;
	s10 =	sld [smem:$0x3FB8];
	_ =	sdelay $0x3  }
0x37: {  	[smem:$0x3FB8] =	sst s10  }
0x38: {  	s10 =	sld [smem:$0x3FB9]  }
0x39: {  	_ = 	snop;
	(pc) =	sbr.ind lr, $3  }
0x3a: {  	_ = 	snop  }
0x3b: {  	_ = 	snop  }
0x3c: {  	p2 =	seq.s32 s10, $0x1;
	s10 =	sld [smem:$0x3FB8]  }
0x3d: {  	_ =	shalt  }
0x3e: {  	_ =	shalt  }
0x3f: {  	_ =	shalt  }
0x40: {  	_ =	shalt  }
0x41: {  	_ =	shalt  }
0x42: {  	_ =	shalt  }
0x43: {  	_ =	shalt  }
0x44: {  	_ =	shalt  }
0x45: {  	_ =	shalt  }
0x46: {  	_ =	shalt  }
0x47: {  	_ =	shalt  }
0x48: {  	_ =	shalt  }
0x49: {  	_ =	shalt  }
0x4a: {  	_ =	shalt  }
0x4b: {  	_ =	shalt  }
0x4c: {  	_ =	shalt  }
0x4d: {  	_ =	shalt  }
0x4e: {  	_ =	shalt  }
0x4f: {  	_ =	shalt  }
0x50: {  	_ =	shalt  }
0x51: {  	_ =	shalt  }
0x52: {  	_ =	shalt  }
0x53: {  	_ =	shalt  }
0x54: {  	_ =	shalt  }
0x55: {  	_ =	shalt  }
0x56: {  	_ =	shalt  }
0x57: {  	_ =	shalt  }
0x58: {  	_ =	shalt  }
0x59: {  	_ =	shalt  }
0x5a: {  	_ =	shalt  }
0x5b: {  	_ =	shalt  }
0x5c: {  	_ =	shalt  }
0x5d: {  	_ =	shalt  }
0x5e: {  	_ =	shalt  }
0x5f: {  	_ =	shalt  }
0x60: {  	_ =	shalt  }
0x61: {  	_ =	shalt  }
0x62: {  	_ =	shalt  }
0x63: {  	_ =	shalt  }
0x64: {  	_ =	shalt  }
0x65: {  	_ =	shalt  }
0x66: {  	_ =	shalt  }
0x67: {  	_ =	shalt  }
0x68: {  	_ =	shalt  }
0x69: {  	_ =	shalt  }
0x6a: {  	_ =	shalt  }
0x6b: {  	_ =	shalt  }
0x6c: {  	_ =	shalt  }
0x6d: {  	_ =	shalt  }
0x6e: {  	_ =	shalt  }
0x6f: {  	_ =	shalt  }
0x70: {  	_ =	shalt  }
0x71: {  	_ =	shalt  }
0x72: {  	_ =	shalt  }
0x73: {  	_ =	shalt  }
0x74: {  	_ =	shalt  }
0x75: {  	_ =	shalt  }
0x76: {  	_ =	shalt  }
0x77: {  	_ =	shalt  }
0x78: {  	_ =	shalt  }
0x79: {  	_ =	shalt  }
0x7a: {  	_ =	shalt  }
0x7b: {  	_ =	shalt  }
0x7c: {  	_ =	shalt  }
0x7d: {  	_ =	shalt  }
0x7e: {  	_ =	shalt  }
0x7f: {  	_ =	shalt  }
0x80: {  	_ =	shalt  }
0x81: {  	_ =	shalt  }
0x82: {  	_ =	shalt  }
0x83: {  	_ =	shalt  }
0x84: {  	_ =	shalt  }
0x85: {  	_ =	shalt  }
0x86: {  	_ =	shalt  }
0x87: {  	_ =	shalt  }
.Lfunc_end0:
.L_simem_size_0:
called_computation_lowered:
.L_overlay_start_0:
0x88: {  	s2 =	sld [smem:$0x3FD9]  }
0x89: {  	s3 =	sld [smem:$0x3FFE];
	_ =	sdelay $0x1  }
0x8a: {  	s1 =	srdreg.scid  }
0x8b: {  	s0 =	sand.u32 $0x1, s1  }
0x8c: {  	s17 =	sshll.u32 s0, $0xA;
	s2 =	sadd.s32 s3, s2  }
0x8d: {  	s2 =	sadd.s32 s2, s17  }
0x8e: {  	[smem:$0x3FC4] =	sst s2  }
0x8f: {  	_ = 	snop  }
0x90: {  	s2 =	sld [smem:$0x3FC9]  }
0x91: {  	s18 =	sld [smem:$0x3FD0];
	(tm) =	ssettm $0x1  }
0x92: {  	s4 =	sld [smem:$0x3FFB];
	_ =	sdelay $0x3  }
0x93: {  	_ =	strace s4  }
0x94: {  	s4 =	sld [smem:$0x3FFC];
	_ =	sdelay $0x3  }
0x95: {  	_ =	strace s4  }
0x96: {  	s4 =	sld [smem:$0x3FFD];
	_ =	sdelay $0x3  }
0x97: {  	_ =	strace s4  }
0x98: {  	_ =	strace $0x8FFFFFFF  }
0x99: {  	s19 =	sld [smem:$0x3FDB];
	_ =	sdelay $0x1  }
0x9a: {  	s5 =	simm.s32 $_scs_section_size  }
0x9b: {  	s6 =	simm.s32 $_size__tile_overlayer_lowered;
	s7 =	simm.s32 $_tile_overlayer_lowered  }
0x9c: {  	s22 =	simm.s32 $0x1BFF;
	s21 =	sshll.u32 s7, $0x1;
	s4 =	sadd.s32 s5, s19  }
0x9d: {  	s8 =	simm.s32 $0x0;
	s20 =	sshll.u32 s6, $0x1;
	s6 =	sadd.s32 s21, s4  }
0x9e: {  	[timem:s8], [sflag:s22] =	dma.local [hbm:s6], s20  }
0x9f: {  	_ =	swait.ge [sflag:s22], s20  }
0xa0: {  	s5 =	ssub.s32 $0x0, s20;
	[sflag:s22] =	ssyncset.done $0x0  }
0xa1: {  	[sflag:s22] =	ssyncadd.s32 s5;
	_ =	sdelay $0x1  }
0xa2: {  	s23 =	simm.s32 $0x1B8B  }
0xa3: {  	_ =	swait.ge [sflag:s23], $0x1  }
0xa4: {  	[sflag:s23] =	ssyncset.done $0x0  }
0xa5: {  	s25 =	simm.s32 $0x1B8E;
	s24 =	sld [smem:$0x3FFE];
	[sflag:s23] =	ssyncadd.s32 $0xFFFFFFFF  }
0xa6: {  	s26 =	simm.s32 $execute0_lowered;
	[smem:$0x3FD2] =	sst s25  }
0xa7: {  	s6 =	sshll.u32 s26, $0x1;
	_ =	strace $0x80000046;
	[dreg:$0x1] =	wrdreg $0xFFFFFFFF  }
0xa8: {  	s28 =	simm.s32 $_size_execute0_lowered;
	s4 =	sadd.s32 s4, s6;
	[dreg:$0x0] =	wrdreg $0x0  }
0xa9: {  	s6 =	sshll.u32 s28, $0x1;
	[dreg:$0x2] =	wrdreg s4  }
0xaa: {  	[dreg:$0x3] =	wrdreg s6  }
0xab: {  	[dreg:$0x4] =	wrdreg $0xC0  }
0xac: {  	_ =	task [dreg:s8], $0x5FFFF  }
0xad: {  	[dreg:$0x1] =	wrdreg $0xFFFFFFFF  }
0xae: {  	[dreg:$0x0] =	wrdreg $0x60  }
0xaf: {  	[dreg:$0x2] =	wrdreg s2  }
0xb0: {  	[dreg:$0x3] =	wrdreg s18  }
0xb1: {  	[dreg:$0x4] =	wrdreg s24  }
0xb2: {  	[dreg:$0x5] =	wrdreg $0x9  }
0xb3: {  	_ =	task.clear_ibuf [dreg:s8], $0x6FFFF;
	_ =	strace $0x90000046  }
0xb4: {  	s29 =	simm.s32 $0x9;
	_ =	strace $0x80000048  }
0xb5: {  	_ =	swait.ge [sflag:s29], $0x1  }
0xb6: {  	[sflag:s29] =	ssyncadd.s32 $0xFFFFFFFF  }
0xb7: {  	_ =	strace $0x90000048  }
0xb8: {  	_ =	sfence  }
0xb9: {  	s30 =	sld [smem:$0x0];
	_ =	sdelay $0x2  }
0xba: {  	s31 =	sshll.u32 s1, $0xD;
	s1 =	sshrl.u32 s1, $0x2  }
0xbb: {  	s3 =	sand.u32 $0x4000, s31;
	s1 =	sadd.s32 s1, s30  }
0xbc: {  	s0 =	sor.u32 s3, s0;
	s1 =	sshll.u32 s1, $0x11  }
0xbd: {  	s0 =	sor.u32 s1, s0  }
0xbe: {  	s0 =	sadd.s32 $0x8F2B, s0  }
0xbf: {  	[sflag:s0] =	ssyncadd.remote.s32 $0x1  }
0xc0: {  	_ =	sfence.sel $0xFFFF  }
0xc1: {  	[dreg:$0x0] =	wrdreg $0xFFFFFFFF;
	(pc) =	sbr.abs _section_cstart, $3  }
0xc2: {  	[dreg:$0x1] =	wrdreg $0xFFFFFFFF  }
0xc3: {  	_ =	task.clear_ibuf [dreg:s8], $0x2FFFF;
	_ =	strace $0x9FFFFFFF  }
0xc4: {  	(tm) =	ssettm $0x7FFFFFFF  }
0xc5: {  	_ =	shalt  }
tec
execute0_lowered:
.L_overlay_start_1:
0x0: {  	(tag) =	ssettag $0x1  }
0x1: {  	s1 =	rddreg [dreg:$0x0]  }
0x2: {  	s0 =	srdreg.scid;
	s2 =	stileid.u32  }
0x3: {  	s7 =	rddreg [dreg:$0x2];
	s5 =	simm.s32 $0x0;
	s13 =	simm.s32 $0x1000  }
0x4: {  	s15 =	simm.s32 $0x3100;
	s11 =	simm.s32 $0x3900;
	s16 =	simm.s32 $0x4100  }
0x5: {  	s17 =	simm.s32 $0x4900;
	s18 =	simm.s32 $0x5100;
	s19 =	simm.s32 $0x5900  }
0x6: {  	s20 =	simm.s32 $0x6100;
	s21 =	simm.s32 $0x6900;
	s22 =	simm.s32 $0x7100  }
0x7: {  	s23 =	simm.s32 $0x7900;
	s24 =	simm.s32 $0x8100;
	s28 =	simm.s32 $0x9900  }
0x8: {  	s29 =	simm.s32 $0xA100;
	s0 =	sand.u32 $0x1, s0;
	s2 =	sshll.u32 s2, $0x1  }
0x9: {  	s30 =	simm.s32 $0xA900;
	s31 =	simm.s32 $0xB100;
	s2 =	sor.u32 s0, s2  }
0xa: {  	s14 =	simm.s32 $0xB900;
	s12 =	simm.s32 $0x1;
	s3 =	smul.u32 $0xA0, s2  }
0xb: {  	[smem:$0x7FF] =	sst s5;
	s0 =	ssub.s32 $0x2, s0;
	s6 =	smul.u32 $0x28000, s2  }
0xc: {  	s9 =	sadd.s32 $0x200, s7;
	s4 =	sshrl.u32 s0, $0x1;
	s2 =	smul.u32 $0x5000, s2  }
0xd: {  	s7 =	sadd.s32 $0x200, s1;
	_ =	strace $0x80000047;
	s0 =	ssub.s32 s0, s4  }
0xe: {  	s25 =	sadd.s32 $0xA0, s3;
	s8 =	sshrl.u32 s6, $0x3;
	s2 =	sadd.s32 s9, s2  }
0xf: {  	s6 =	sadd.s32 $0x100, s1;
	s0 =	smax.u32 s0, $0x1;
	[dreg:$0x4] =	wrdreg s2  }
0x10: {  	v2 =	vlaneseq.u32;
	v3 =	vimm.s32 $0x0;
	vm0 =	vmmov $0xffff;
	s10 =	sadd.s32 s9, s8;
	s8 =	sadd.s32 $0x300, s1;
	[dreg:$0x6] =	wrdreg s0  }
0x11: {  	v4 =	vand.u32 $0x7, v2;
	v5 =	vshrl.u32 v2, $0x3;
	v1 =	vmov s25;
	s0 =	simm.s32 $0x0;
	s25 =	simm.s32 $0x8900;
	s26 =	sadd.s32 $0x2800, s10  }
0x12: {  	v6 =	vor.u32 $0x8, v2;
	v5 =	vmul.u32 $0x8, v5;
	v0 =	vmov s3;
	s10 =	simm.s32 $0x2;
	[dreg:$0x5] =	wrdreg s26;
	s26 =	simm.s32 $0x9100  }
.LBB2_1:
0x13: {  	s3 =	rddreg [dreg:$0x1]  }
0x14: {  	[tilespmem:s5], [sflag:$0x2] =	stream.linear.gather [hbm4b:s3+s5], $0x800, $0x38;
	[tilespmem:$0x15100] =	vst v63  }
0x15: {  	_ =	swait.ge [sflag:s10], $0x800  }
0x16: {  	[sflag:s10] =	ssyncset.done $0x0  }
0x17: {  	[sflag:s10] =	ssyncadd.s32 $0xFFFFF800  }
0x18: {  	s3 =	simm.s32 $0x800;
	s4 =	rddreg [dreg:$0x2]  }
0x19: {  	[tilespmem:s3], [sflag:$0x2] =	stream.linear.gather [hbm4b:s4+s5], $0x800, $0x38;
	[tilespmem:$0x15100] =	vst v63  }
0x1a: {  	_ =	swait.ge [sflag:s10], $0x800  }
0x1b: {  	[sflag:s10] =	ssyncset.done $0x0  }
0x1c: {  	[sflag:s10] =	ssyncadd.s32 $0xFFFFF800  }
0x1d: {  	[tilespmem:$0x1000] =	vst v3  }
0x1e: {  	[tilespmem:$0x1010] =	vst v3  }
0x1f: {  	[tilespmem:$0x1020] =	vst v3  }
0x20: {  	[tilespmem:$0x1030] =	vst v3  }
0x21: {  	[tilespmem:$0x1040] =	vst v3  }
0x22: {  	[tilespmem:$0x1050] =	vst v3  }
0x23: {  	[tilespmem:$0x1060] =	vst v3  }
0x24: {  	[tilespmem:$0x1070] =	vst v3  }
0x25: {  	[tilespmem:$0x1080] =	vst v3  }
0x26: {  	s9 =	simm.s32 $0x0;
	s4 =	simm.s32 $0x0;
	[tilespmem:$0x1090] =	vst v3  }
.LBB2_2:
0x27: {  	v7 =	vld [tilespmem:s4+$0x0];
	_ =	sdelay $0x4  }
0x28: {  	vm1 =	vge.s32 v7, v0;
	vm2 =	vlt.s32 v7, v1  }
0x29: {  	vm1 =	vmand vm1, vm2  }
0x2a: {  	v7 =	vsub.s32 v7, v0;
	_ =	sdelay $0x3  }
0x2b: {  	v8 =	vor.u32 s9, v2  }
0x2c: {  	[tilespmem:v7+s13+$0x0] =	vst.idx.msk vm1, v8  }
0x2d: {  	v7 =	vld [tilespmem:s3+$0x0];
	_ =	sdelay $0x4  }
0x2e: {  	vm1 =	vge.s32 v7, v0;
	vm2 =	vlt.s32 v7, v1  }
0x2f: {  	vm1 =	vmand vm1, vm2  }
0x30: {  	p0 =	sne.s32 s9, $0x7F0;
	v7 =	vsub.s32 v7, v0  }
.Ltmp0:
0x31: {  	_ = 	snop;
	(pc) =	sbr.rel @p0 .LBB2_2-.Ltmp0, $2  }
0x32: {  	_ =	sdelay $0x2  }
0x33: {  	s4 =	sadd.s32 $0x10, s4;
	s9 =	sadd.s32 $0x10, s9;
	s3 =	sadd.s32 $0x10, s3;
	[tilespmem:v7+s13+$0x0] =	vst.idx.msk vm1, v8  }
0x34: {  	v7 =	vld [tilespmem:$0x1000];
	_ =	sdelay $0x4  }
0x35: {  	v8 =	vshll.u32 v7, $0x3  }
0x36: {  	v7 =	vand.u32 $0x7, v7;
	v8 =	vand.u32 $0xFFFFFFC0, v8  }
0x37: {  	v7 =	vor.u32 v7, v8  }
0x38: {  	v8 =	vperm.xlane v7, v4;
	_ =	sdelay $0x1  }
0x39: {  	v8 =	vadd.s32 v5, v8;
	_ =	sdelay $0x3  }
0x3a: {  	s3 =	simm.s32 $0x1100  }
0x3b: {  	[tilespmem:s3], [sflag:$0x1] =	stream.indirect_vreg.gather [hbm4b:s1+s5], $0x80, v8, vm0, $0xb8;
	[tilespmem:$0x15100] =	vst v63  }
0x3c: {  	s4 =	simm.s32 $0x1900;
	v7 =	vperm.xlane v7, v6  }
0x3d: {  	[tilespmem:s4], [sflag:$0x1] =	stream.indirect_vreg.gather [hbm4b:s6+s5], $0x80, v8, vm0, $0xb8;
	[tilespmem:$0x15100] =	vst v63  }
0x3e: {  	s9 =	simm.s32 $0x2100;
	v7 =	vadd.s32 v5, v7  }
0x3f: {  	[tilespmem:s9], [sflag:$0x1] =	stream.indirect_vreg.gather [hbm4b:s7+s5], $0x80, v8, vm0, $0xb8;
	[tilespmem:$0x15100] =	vst v63  }
0x40: {  	s2 =	simm.s32 $0x2900  }
0x41: {  	[tilespmem:s2], [sflag:$0x1] =	stream.indirect_vreg.gather [hbm4b:s8+s5], $0x80, v8, vm0, $0xb8;
	[tilespmem:$0x15100] =	vst v63  }
0x42: {  	_ = 	snop  }
0x43: {  	[tilespmem:s15], [sflag:$0x1] =	stream.indirect_vreg.gather [hbm4b:s1+s5], $0x80, v7, vm0, $0xb8;
	[tilespmem:$0x15100] =	vst v63  }
0x44: {  	_ = 	snop  }
0x45: {  	[tilespmem:s11], [sflag:$0x1] =	stream.indirect_vreg.gather [hbm4b:s6+s5], $0x80, v7, vm0, $0xb8;
	[tilespmem:$0x15100] =	vst v63  }
0x46: {  	_ = 	snop  }
0x47: {  	[tilespmem:s16], [sflag:$0x1] =	stream.indirect_vreg.gather [hbm4b:s7+s5], $0x80, v7, vm0, $0xb8;
	[tilespmem:$0x15100] =	vst v63  }
0x48: {  	_ = 	snop  }
0x49: {  	[tilespmem:s17], [sflag:$0x1] =	stream.indirect_vreg.gather [hbm4b:s8+s5], $0x80, v7, vm0, $0xb8;
	[tilespmem:$0x15100] =	vst v63  }
0x4a: {  	v7 =	vld [tilespmem:$0x1010];
	_ =	sdelay $0x4  }
0x4b: {  	v8 =	vshll.u32 v7, $0x3  }
0x4c: {  	v7 =	vand.u32 $0x7, v7;
	v8 =	vand.u32 $0xFFFFFFC0, v8  }
0x4d: {  	v7 =	vor.u32 v7, v8  }
0x4e: {  	v8 =	vperm.xlane v7, v4;
	_ =	sdelay $0x1  }
0x4f: {  	v8 =	vadd.s32 v5, v8;
	_ =	sdelay $0x4  }
0x50: {  	[tilespmem:s18], [sflag:$0x1] =	stream.indirect_vreg.gather [hbm4b:s1+s5], $0x80, v8, vm0, $0xb8;
	[tilespmem:$0x15100] =	vst v63  }
0x51: {  	v7 =	vperm.xlane v7, v6  }
0x52: {  	[tilespmem:s19], [sflag:$0x1] =	stream.indirect_vreg.gather [hbm4b:s6+s5], $0x80, v8, vm0, $0xb8;
	[tilespmem:$0x15100] =	vst v63  }
0x53: {  	v7 =	vadd.s32 v5, v7  }
0x54: {  	[tilespmem:s20], [sflag:$0x1] =	stream.indirect_vreg.gather [hbm4b:s7+s5], $0x80, v8, vm0, $0xb8;
	[tilespmem:$0x15100] =	vst v63  }
0x55: {  	_ = 	snop  }
0x56: {  	[tilespmem:s21], [sflag:$0x1] =	stream.indirect_vreg.gather [hbm4b:s8+s5], $0x80, v8, vm0, $0xb8;
	[tilespmem:$0x15100] =	vst v63  }
0x57: {  	_ = 	snop  }
0x58: {  	[tilespmem:s22], [sflag:$0x1] =	stream.indirect_vreg.gather [hbm4b:s1+s5], $0x80, v7, vm0, $0xb8;
	[tilespmem:$0x15100] =	vst v63  }
0x59: {  	_ = 	snop  }
0x5a: {  	[tilespmem:s23], [sflag:$0x1] =	stream.indirect_vreg.gather [hbm4b:s6+s5], $0x80, v7, vm0, $0xb8;
	[tilespmem:$0x15100] =	vst v63  }
0x5b: {  	_ = 	snop  }
0x5c: {  	[tilespmem:s24], [sflag:$0x1] =	stream.indirect_vreg.gather [hbm4b:s7+s5], $0x80, v7, vm0, $0xb8;
	[tilespmem:$0x15100] =	vst v63  }
0x5d: {  	_ = 	snop  }
0x5e: {  	[tilespmem:s25], [sflag:$0x1] =	stream.indirect_vreg.gather [hbm4b:s8+s5], $0x80, v7, vm0, $0xb8;
	[tilespmem:$0x15100] =	vst v63  }
0x5f: {  	v7 =	vld [tilespmem:$0x1020];
	_ =	sdelay $0x4  }
0x60: {  	v8 =	vshll.u32 v7, $0x3  }
0x61: {  	v7 =	vand.u32 $0x7, v7;
	v8 =	vand.u32 $0xFFFFFFC0, v8  }
0x62: {  	v7 =	vor.u32 v7, v8  }
0x63: {  	v8 =	vperm.xlane v7, v4;
	_ =	sdelay $0x1  }
0x64: {  	v8 =	vadd.s32 v5, v8;
	_ =	sdelay $0x4  }
0x65: {  	[tilespmem:s26], [sflag:$0x1] =	stream.indirect_vreg.gather [hbm4b:s1+s5], $0x80, v8, vm0, $0xb8;
	[tilespmem:$0x15100] =	vst v63  }
0x66: {  	v7 =	vperm.xlane v7, v6  }
0x67: {  	[tilespmem:s28], [sflag:$0x1] =	stream.indirect_vreg.gather [hbm4b:s6+s5], $0x80, v8, vm0, $0xb8;
	[tilespmem:$0x15100] =	vst v63  }
0x68: {  	v7 =	vadd.s32 v5, v7  }
0x69: {  	[tilespmem:s29], [sflag:$0x1] =	stream.indirect_vreg.gather [hbm4b:s7+s5], $0x80, v8, vm0, $0xb8;
	[tilespmem:$0x15100] =	vst v63  }
0x6a: {  	_ = 	snop  }
0x6b: {  	[tilespmem:s30], [sflag:$0x1] =	stream.indirect_vreg.gather [hbm4b:s8+s5], $0x80, v8, vm0, $0xb8;
	[tilespmem:$0x15100] =	vst v63  }
0x6c: {  	_ = 	snop  }
0x6d: {  	[tilespmem:s31], [sflag:$0x1] =	stream.indirect_vreg.gather [hbm4b:s1+s5], $0x80, v7, vm0, $0xb8;
	[tilespmem:$0x15100] =	vst v63  }
0x6e: {  	_ = 	snop  }
0x6f: {  	[tilespmem:s14], [sflag:$0x1] =	stream.indirect_vreg.gather [hbm4b:s6+s5], $0x80, v7, vm0, $0xb8;
	[tilespmem:$0x15100] =	vst v63  }
0x70: {  	s3 =	simm.s32 $0xC100  }
0x71: {  	[tilespmem:s3], [sflag:$0x1] =	stream.indirect_vreg.gather [hbm4b:s7+s5], $0x80, v7, vm0, $0xb8;
	[tilespmem:$0x15100] =	vst v63  }
0x72: {  	s3 =	simm.s32 $0xC900  }
0x73: {  	[tilespmem:s3], [sflag:$0x1] =	stream.indirect_vreg.gather [hbm4b:s8+s5], $0x80, v7, vm0, $0xb8;
	[tilespmem:$0x15100] =	vst v63  }
0x74: {  	v7 =	vld [tilespmem:$0x1030];
	_ =	sdelay $0x4  }
0x75: {  	v8 =	vshll.u32 v7, $0x3  }
0x76: {  	v7 =	vand.u32 $0x7, v7;
	v8 =	vand.u32 $0xFFFFFFC0, v8  }
0x77: {  	v7 =	vor.u32 v7, v8  }
0x78: {  	v8 =	vperm.xlane v7, v4;
	_ =	sdelay $0x1  }
0x79: {  	v8 =	vadd.s32 v5, v8;
	_ =	sdelay $0x3  }
0x7a: {  	s3 =	simm.s32 $0xD100  }
0x7b: {  	[tilespmem:s3], [sflag:$0x1] =	stream.indirect_vreg.gather [hbm4b:s1+s5], $0x80, v8, vm0, $0xb8;
	[tilespmem:$0x15100] =	vst v63  }
0x7c: {  	v7 =	vperm.xlane v7, v6;
	s3 =	simm.s32 $0xD900  }
0x7d: {  	[tilespmem:s3], [sflag:$0x1] =	stream.indirect_vreg.gather [hbm4b:s6+s5], $0x80, v8, vm0, $0xb8;
	[tilespmem:$0x15100] =	vst v63  }
0x7e: {  	v7 =	vadd.s32 v5, v7;
	s3 =	simm.s32 $0xE100  }
0x7f: {  	[tilespmem:s3], [sflag:$0x1] =	stream.indirect_vreg.gather [hbm4b:s7+s5], $0x80, v8, vm0, $0xb8;
	[tilespmem:$0x15100] =	vst v63  }
0x80: {  	s3 =	simm.s32 $0xE900  }
0x81: {  	[tilespmem:s3], [sflag:$0x1] =	stream.indirect_vreg.gather [hbm4b:s8+s5], $0x80, v8, vm0, $0xb8;
	[tilespmem:$0x15100] =	vst v63  }
0x82: {  	s3 =	simm.s32 $0xF100  }
0x83: {  	[tilespmem:s3], [sflag:$0x1] =	stream.indirect_vreg.gather [hbm4b:s1+s5], $0x80, v7, vm0, $0xb8;
	[tilespmem:$0x15100] =	vst v63  }
0x84: {  	s3 =	simm.s32 $0xF900  }
0x85: {  	[tilespmem:s3], [sflag:$0x1] =	stream.indirect_vreg.gather [hbm4b:s6+s5], $0x80, v7, vm0, $0xb8;
	[tilespmem:$0x15100] =	vst v63  }
0x86: {  	s3 =	simm.s32 $0x10100  }
0x87: {  	[tilespmem:s3], [sflag:$0x1] =	stream.indirect_vreg.gather [hbm4b:s7+s5], $0x80, v7, vm0, $0xb8;
	[tilespmem:$0x15100] =	vst v63  }
0x88: {  	s3 =	simm.s32 $0x10900  }
0x89: {  	[tilespmem:s3], [sflag:$0x1] =	stream.indirect_vreg.gather [hbm4b:s8+s5], $0x80, v7, vm0, $0xb8;
	[tilespmem:$0x15100] =	vst v63  }
0x8a: {  	v7 =	vld [tilespmem:$0x1040];
	_ =	sdelay $0x4  }
0x8b: {  	v8 =	vshll.u32 v7, $0x3  }
0x8c: {  	v7 =	vand.u32 $0x7, v7;
	v8 =	vand.u32 $0xFFFFFFC0, v8  }
0x8d: {  	v7 =	vor.u32 v7, v8  }
0x8e: {  	v8 =	vperm.xlane v7, v4;
	_ =	sdelay $0x1  }
0x8f: {  	v8 =	vadd.s32 v5, v8;
	_ =	sdelay $0x3  }
0x90: {  	s3 =	simm.s32 $0x11100  }
0x91: {  	[tilespmem:s3], [sflag:$0x1] =	stream.indirect_vreg.gather [hbm4b:s1+s5], $0x80, v8, vm0, $0xb8;
	[tilespmem:$0x15100] =	vst v63  }
0x92: {  	v7 =	vperm.xlane v7, v6;
	s3 =	simm.s32 $0x11900  }
0x93: {  	[tilespmem:s3], [sflag:$0x1] =	stream.indirect_vreg.gather [hbm4b:s6+s5], $0x80, v8, vm0, $0xb8;
	[tilespmem:$0x15100] =	vst v63  }
0x94: {  	v7 =	vadd.s32 v5, v7;
	s3 =	simm.s32 $0x12100  }
0x95: {  	[tilespmem:s3], [sflag:$0x1] =	stream.indirect_vreg.gather [hbm4b:s7+s5], $0x80, v8, vm0, $0xb8;
	[tilespmem:$0x15100] =	vst v63  }
0x96: {  	s3 =	simm.s32 $0x12900  }
0x97: {  	[tilespmem:s3], [sflag:$0x1] =	stream.indirect_vreg.gather [hbm4b:s8+s5], $0x80, v8, vm0, $0xb8;
	[tilespmem:$0x15100] =	vst v63  }
0x98: {  	s3 =	simm.s32 $0x13100  }
0x99: {  	[tilespmem:s3], [sflag:$0x1] =	stream.indirect_vreg.gather [hbm4b:s1+s5], $0x80, v7, vm0, $0xb8;
	[tilespmem:$0x15100] =	vst v63  }
0x9a: {  	s3 =	simm.s32 $0x13900  }
0x9b: {  	[tilespmem:s3], [sflag:$0x1] =	stream.indirect_vreg.gather [hbm4b:s6+s5], $0x80, v7, vm0, $0xb8;
	[tilespmem:$0x15100] =	vst v63  }
0x9c: {  	s3 =	simm.s32 $0x14100  }
0x9d: {  	[tilespmem:s3], [sflag:$0x1] =	stream.indirect_vreg.gather [hbm4b:s7+s5], $0x80, v7, vm0, $0xb8;
	[tilespmem:$0x15100] =	vst v63  }
0x9e: {  	s3 =	simm.s32 $0x14900  }
0x9f: {  	[tilespmem:s3], [sflag:$0x1] =	stream.indirect_vreg.gather [hbm4b:s8+s5], $0x80, v7, vm0, $0xb8;
	[tilespmem:$0x15100] =	vst v63  }
0xa0: {  	_ =	swait.ge [sflag:s12], $0x14000  }
0xa1: {  	[sflag:s12] =	ssyncset.done $0x0  }
0xa2: {  	s2 =	simm.s32 $0x1100;
	s3 =	rddreg [dreg:$0x4];
	[sflag:s12] =	ssyncadd.s32 $0xFFFEC000  }
0xa3: {  	[hbm4b:s3+s5] =	stream.linear.scatter [tilespmem:s2], [sflag:$0x2], $0x14000, $0x38;
	[tilespmem:$0x15100] =	vst v63  }
0xa4: {  	_ =	swait.ge [sflag:s10], $0x14000  }
0xa5: {  	[sflag:s10] =	ssyncset.done $0x0  }
0xa6: {  	[sflag:s10] =	ssyncadd.s32 $0xFFFEC000  }
0xa7: {  	v7 =	vld [tilespmem:$0x1050];
	_ =	sdelay $0x4  }
0xa8: {  	v8 =	vshll.u32 v7, $0x3  }
0xa9: {  	v7 =	vand.u32 $0x7, v7;
	v8 =	vand.u32 $0xFFFFFFC0, v8  }
0xaa: {  	v7 =	vor.u32 v7, v8  }
0xab: {  	v8 =	vperm.xlane v7, v4;
	_ =	sdelay $0x1  }
0xac: {  	v8 =	vadd.s32 v5, v8;
	_ =	sdelay $0x4  }
0xad: {  	[tilespmem:s2], [sflag:$0x1] =	stream.indirect_vreg.gather [hbm4b:s1+s5], $0x80, v8, vm0, $0xb8;
	[tilespmem:$0x15100] =	vst v63  }
0xae: {  	v7 =	vperm.xlane v7, v6  }
0xaf: {  	[tilespmem:s4], [sflag:$0x1] =	stream.indirect_vreg.gather [hbm4b:s6+s5], $0x80, v8, vm0, $0xb8;
	[tilespmem:$0x15100] =	vst v63  }
0xb0: {  	v7 =	vadd.s32 v5, v7  }
0xb1: {  	[tilespmem:s9], [sflag:$0x1] =	stream.indirect_vreg.gather [hbm4b:s7+s5], $0x80, v8, vm0, $0xb8;
	[tilespmem:$0x15100] =	vst v63  }
0xb2: {  	s9 =	simm.s32 $0x2900  }
0xb3: {  	[tilespmem:s9], [sflag:$0x1] =	stream.indirect_vreg.gather [hbm4b:s8+s5], $0x80, v8, vm0, $0xb8;
	[tilespmem:$0x15100] =	vst v63  }
0xb4: {  	_ = 	snop  }
0xb5: {  	[tilespmem:s15], [sflag:$0x1] =	stream.indirect_vreg.gather [hbm4b:s1+s5], $0x80, v7, vm0, $0xb8;
	[tilespmem:$0x15100] =	vst v63  }
0xb6: {  	_ = 	snop  }
0xb7: {  	[tilespmem:s11], [sflag:$0x1] =	stream.indirect_vreg.gather [hbm4b:s6+s5], $0x80, v7, vm0, $0xb8;
	[tilespmem:$0x15100] =	vst v63  }
0xb8: {  	_ = 	snop  }
0xb9: {  	[tilespmem:s16], [sflag:$0x1] =	stream.indirect_vreg.gather [hbm4b:s7+s5], $0x80, v7, vm0, $0xb8;
	[tilespmem:$0x15100] =	vst v63  }
0xba: {  	_ = 	snop  }
0xbb: {  	[tilespmem:s17], [sflag:$0x1] =	stream.indirect_vreg.gather [hbm4b:s8+s5], $0x80, v7, vm0, $0xb8;
	[tilespmem:$0x15100] =	vst v63  }
0xbc: {  	v7 =	vld [tilespmem:$0x1060];
	_ =	sdelay $0x4  }
0xbd: {  	v8 =	vshll.u32 v7, $0x3  }
0xbe: {  	v7 =	vand.u32 $0x7, v7;
	v8 =	vand.u32 $0xFFFFFFC0, v8  }
0xbf: {  	v7 =	vor.u32 v7, v8  }
0xc0: {  	v8 =	vperm.xlane v7, v4;
	_ =	sdelay $0x1  }
0xc1: {  	v8 =	vadd.s32 v5, v8;
	_ =	sdelay $0x4  }
0xc2: {  	[tilespmem:s18], [sflag:$0x1] =	stream.indirect_vreg.gather [hbm4b:s1+s5], $0x80, v8, vm0, $0xb8;
	[tilespmem:$0x15100] =	vst v63  }
0xc3: {  	v7 =	vperm.xlane v7, v6  }
0xc4: {  	[tilespmem:s19], [sflag:$0x1] =	stream.indirect_vreg.gather [hbm4b:s6+s5], $0x80, v8, vm0, $0xb8;
	[tilespmem:$0x15100] =	vst v63  }
0xc5: {  	v7 =	vadd.s32 v5, v7  }
0xc6: {  	[tilespmem:s20], [sflag:$0x1] =	stream.indirect_vreg.gather [hbm4b:s7+s5], $0x80, v8, vm0, $0xb8;
	[tilespmem:$0x15100] =	vst v63  }
0xc7: {  	_ = 	snop  }
0xc8: {  	[tilespmem:s21], [sflag:$0x1] =	stream.indirect_vreg.gather [hbm4b:s8+s5], $0x80, v8, vm0, $0xb8;
	[tilespmem:$0x15100] =	vst v63  }
0xc9: {  	_ = 	snop  }
0xca: {  	[tilespmem:s22], [sflag:$0x1] =	stream.indirect_vreg.gather [hbm4b:s1+s5], $0x80, v7, vm0, $0xb8;
	[tilespmem:$0x15100] =	vst v63  }
0xcb: {  	_ = 	snop  }
0xcc: {  	[tilespmem:s23], [sflag:$0x1] =	stream.indirect_vreg.gather [hbm4b:s6+s5], $0x80, v7, vm0, $0xb8;
	[tilespmem:$0x15100] =	vst v63  }
0xcd: {  	_ = 	snop  }
0xce: {  	[tilespmem:s24], [sflag:$0x1] =	stream.indirect_vreg.gather [hbm4b:s7+s5], $0x80, v7, vm0, $0xb8;
	[tilespmem:$0x15100] =	vst v63  }
0xcf: {  	_ = 	snop  }
0xd0: {  	[tilespmem:s25], [sflag:$0x1] =	stream.indirect_vreg.gather [hbm4b:s8+s5], $0x80, v7, vm0, $0xb8;
	[tilespmem:$0x15100] =	vst v63  }
0xd1: {  	v7 =	vld [tilespmem:$0x1070];
	_ =	sdelay $0x4  }
0xd2: {  	v8 =	vshll.u32 v7, $0x3  }
0xd3: {  	v7 =	vand.u32 $0x7, v7;
	v8 =	vand.u32 $0xFFFFFFC0, v8  }
0xd4: {  	v7 =	vor.u32 v7, v8  }
0xd5: {  	v8 =	vperm.xlane v7, v4;
	_ =	sdelay $0x1  }
0xd6: {  	v8 =	vadd.s32 v5, v8;
	_ =	sdelay $0x4  }
0xd7: {  	[tilespmem:s26], [sflag:$0x1] =	stream.indirect_vreg.gather [hbm4b:s1+s5], $0x80, v8, vm0, $0xb8;
	[tilespmem:$0x15100] =	vst v63  }
0xd8: {  	v7 =	vperm.xlane v7, v6  }
0xd9: {  	[tilespmem:s28], [sflag:$0x1] =	stream.indirect_vreg.gather [hbm4b:s6+s5], $0x80, v8, vm0, $0xb8;
	[tilespmem:$0x15100] =	vst v63  }
0xda: {  	v7 =	vadd.s32 v5, v7  }
0xdb: {  	[tilespmem:s29], [sflag:$0x1] =	stream.indirect_vreg.gather [hbm4b:s7+s5], $0x80, v8, vm0, $0xb8;
	[tilespmem:$0x15100] =	vst v63  }
0xdc: {  	_ = 	snop  }
0xdd: {  	[tilespmem:s30], [sflag:$0x1] =	stream.indirect_vreg.gather [hbm4b:s8+s5], $0x80, v8, vm0, $0xb8;
	[tilespmem:$0x15100] =	vst v63  }
0xde: {  	_ = 	snop  }
0xdf: {  	[tilespmem:s31], [sflag:$0x1] =	stream.indirect_vreg.gather [hbm4b:s1+s5], $0x80, v7, vm0, $0xb8;
	[tilespmem:$0x15100] =	vst v63  }
0xe0: {  	_ = 	snop  }
0xe1: {  	[tilespmem:s14], [sflag:$0x1] =	stream.indirect_vreg.gather [hbm4b:s6+s5], $0x80, v7, vm0, $0xb8;
	[tilespmem:$0x15100] =	vst v63  }
0xe2: {  	s3 =	simm.s32 $0xC100  }
0xe3: {  	[tilespmem:s3], [sflag:$0x1] =	stream.indirect_vreg.gather [hbm4b:s7+s5], $0x80, v7, vm0, $0xb8;
	[tilespmem:$0x15100] =	vst v63  }
0xe4: {  	s4 =	simm.s32 $0xC900  }
0xe5: {  	[tilespmem:s4], [sflag:$0x1] =	stream.indirect_vreg.gather [hbm4b:s8+s5], $0x80, v7, vm0, $0xb8;
	[tilespmem:$0x15100] =	vst v63  }
0xe6: {  	v7 =	vld [tilespmem:$0x1080];
	_ =	sdelay $0x4  }
0xe7: {  	v8 =	vshll.u32 v7, $0x3  }
0xe8: {  	v7 =	vand.u32 $0x7, v7;
	v8 =	vand.u32 $0xFFFFFFC0, v8  }
0xe9: {  	v7 =	vor.u32 v7, v8  }
0xea: {  	v8 =	vperm.xlane v7, v4;
	_ =	sdelay $0x1  }
0xeb: {  	v8 =	vadd.s32 v5, v8;
	_ =	sdelay $0x3  }
0xec: {  	s9 =	simm.s32 $0xD100  }
0xed: {  	[tilespmem:s9], [sflag:$0x1] =	stream.indirect_vreg.gather [hbm4b:s1+s5], $0x80, v8, vm0, $0xb8;
	[tilespmem:$0x15100] =	vst v63  }
0xee: {  	s3 =	simm.s32 $0xD900;
	v7 =	vperm.xlane v7, v6  }
0xef: {  	[tilespmem:s3], [sflag:$0x1] =	stream.indirect_vreg.gather [hbm4b:s6+s5], $0x80, v8, vm0, $0xb8;
	[tilespmem:$0x15100] =	vst v63  }
0xf0: {  	s4 =	simm.s32 $0xE100;
	v7 =	vadd.s32 v5, v7  }
0xf1: {  	[tilespmem:s4], [sflag:$0x1] =	stream.indirect_vreg.gather [hbm4b:s7+s5], $0x80, v8, vm0, $0xb8;
	[tilespmem:$0x15100] =	vst v63  }
0xf2: {  	s9 =	simm.s32 $0xE900  }
0xf3: {  	[tilespmem:s9], [sflag:$0x1] =	stream.indirect_vreg.gather [hbm4b:s8+s5], $0x80, v8, vm0, $0xb8;
	[tilespmem:$0x15100] =	vst v63  }
0xf4: {  	s3 =	simm.s32 $0xF100  }
0xf5: {  	[tilespmem:s3], [sflag:$0x1] =	stream.indirect_vreg.gather [hbm4b:s1+s5], $0x80, v7, vm0, $0xb8;
	[tilespmem:$0x15100] =	vst v63  }
0xf6: {  	s4 =	simm.s32 $0xF900  }
0xf7: {  	[tilespmem:s4], [sflag:$0x1] =	stream.indirect_vreg.gather [hbm4b:s6+s5], $0x80, v7, vm0, $0xb8;
	[tilespmem:$0x15100] =	vst v63  }
0xf8: {  	s9 =	simm.s32 $0x10100  }
0xf9: {  	[tilespmem:s9], [sflag:$0x1] =	stream.indirect_vreg.gather [hbm4b:s7+s5], $0x80, v7, vm0, $0xb8;
	[tilespmem:$0x15100] =	vst v63  }
0xfa: {  	s3 =	simm.s32 $0x10900  }
0xfb: {  	[tilespmem:s3], [sflag:$0x1] =	stream.indirect_vreg.gather [hbm4b:s8+s5], $0x80, v7, vm0, $0xb8;
	[tilespmem:$0x15100] =	vst v63  }
0xfc: {  	v7 =	vld [tilespmem:$0x1090];
	_ =	sdelay $0x4  }
0xfd: {  	v8 =	vshll.u32 v7, $0x3  }
0xfe: {  	v7 =	vand.u32 $0x7, v7;
	v8 =	vand.u32 $0xFFFFFFC0, v8  }
0xff: {  	v7 =	vor.u32 v7, v8  }
0x100: {  	v8 =	vperm.xlane v7, v4;
	_ =	sdelay $0x1  }
0x101: {  	v8 =	vadd.s32 v5, v8;
	_ =	sdelay $0x3  }
0x102: {  	s4 =	simm.s32 $0x11100  }
0x103: {  	[tilespmem:s4], [sflag:$0x1] =	stream.indirect_vreg.gather [hbm4b:s1+s5], $0x80, v8, vm0, $0xb8;
	[tilespmem:$0x15100] =	vst v63  }
0x104: {  	s9 =	simm.s32 $0x11900;
	v7 =	vperm.xlane v7, v6  }
0x105: {  	[tilespmem:s9], [sflag:$0x1] =	stream.indirect_vreg.gather [hbm4b:s6+s5], $0x80, v8, vm0, $0xb8;
	[tilespmem:$0x15100] =	vst v63  }
0x106: {  	s3 =	simm.s32 $0x12100;
	v7 =	vadd.s32 v5, v7  }
0x107: {  	[tilespmem:s3], [sflag:$0x1] =	stream.indirect_vreg.gather [hbm4b:s7+s5], $0x80, v8, vm0, $0xb8;
	[tilespmem:$0x15100] =	vst v63  }
0x108: {  	s4 =	simm.s32 $0x12900  }
0x109: {  	[tilespmem:s4], [sflag:$0x1] =	stream.indirect_vreg.gather [hbm4b:s8+s5], $0x80, v8, vm0, $0xb8;
	[tilespmem:$0x15100] =	vst v63  }
0x10a: {  	s9 =	simm.s32 $0x13100  }
0x10b: {  	[tilespmem:s9], [sflag:$0x1] =	stream.indirect_vreg.gather [hbm4b:s1+s5], $0x80, v7, vm0, $0xb8;
	[tilespmem:$0x15100] =	vst v63  }
0x10c: {  	s3 =	simm.s32 $0x13900  }
0x10d: {  	[tilespmem:s3], [sflag:$0x1] =	stream.indirect_vreg.gather [hbm4b:s6+s5], $0x80, v7, vm0, $0xb8;
	[tilespmem:$0x15100] =	vst v63  }
0x10e: {  	s4 =	simm.s32 $0x14100  }
0x10f: {  	[tilespmem:s4], [sflag:$0x1] =	stream.indirect_vreg.gather [hbm4b:s7+s5], $0x80, v7, vm0, $0xb8;
	[tilespmem:$0x15100] =	vst v63  }
0x110: {  	s9 =	simm.s32 $0x14900  }
0x111: {  	[tilespmem:s9], [sflag:$0x1] =	stream.indirect_vreg.gather [hbm4b:s8+s5], $0x80, v7, vm0, $0xb8;
	[tilespmem:$0x15100] =	vst v63  }
0x112: {  	_ =	swait.ge [sflag:s12], $0x14000  }
0x113: {  	[sflag:s12] =	ssyncset.done $0x0  }
0x114: {  	s4 =	simm.s32 $0x1100;
	s2 =	rddreg [dreg:$0x5];
	[sflag:s12] =	ssyncadd.s32 $0xFFFEC000  }
0x115: {  	[hbm4b:s2+s5] =	stream.linear.scatter [tilespmem:s4], [sflag:$0x2], $0x14000, $0x38;
	[tilespmem:$0x15100] =	vst v63  }
0x116: {  	_ =	swait.ge [sflag:s10], $0x14000  }
0x117: {  	s0 =	sadd.s32 $0x1, s0;
	s9 =	rddreg [dreg:$0x6]  }
0x118: {  	p0 =	sne.s32 s0, s9  }
.Ltmp1:
0x119: {  	_ = 	snop;
	(pc) =	sbr.rel @p0 .LBB2_1-.Ltmp1, $3  }
0x11a: {  	_ =	sdelay $0x1  }
0x11b: {  	[sflag:s10] =	ssyncset.done $0x0  }
0x11c: {  	[sflag:s10] =	ssyncadd.s32 $0xFFFEC000  }
0x11d: {  	_ =	sfence.sel $0x180000  }
0x11e: {  	[bflag:$0x0] =	sbarrier.arrive $0xFFFF  }
0x11f: {  	_ =	strace $0x90000047  }
0x120: {  	s0 =	stileid.u32;
	[bflag:$0x2] =	sbarrier.arrive $0xFFFF  }
0x121: {  	p0 =	sne.s32 s0, $0x0;
	s0 =	rddreg [dreg:$0x3]  }
0x122: {  	s0 =	sadd.s32 @!p0 $0x100000, s0  }
0x123: {  	[sflag:s0] =	ssyncadd.tile.s32 @!p0 $0x1;
	_ =	shalt  }
.Lfunc_end2:
_tile_overlayer_lowered:
.L_overlay_start_2:
0x124: {  	(tag) =	ssettag $0x2  }
0x125: {  	s0 =	rddreg [dreg:$0x0];
	s2 =	stileid.u32  }
0x126: {  	s1 =	rddreg [dreg:$0x1];
	p0 =	sne.s32 s2, $0x0  }
0x127: {  	s3 =	rddreg [dreg:$0x2];
	[bflag:$0x3] =	sbarrier.arrive $0xFFFF;
	s2 =	simm.s32 @!p0 $0x1C02  }
0x128: {  	[timem:s3], [sflag:s2] =	dma.local @!p0 [hbm:s0], s1  }
0x129: {  	s0 =	simm.s32 @!p0 $0x2  }
0x12a: {  	_ =	swait.ge @!p0 [sflag:s0], s1  }
0x12b: {  	s1 =	ssub.s32 @!p0 $0x0, s1;
	[sflag:s0] =	ssyncset.done @!p0 $0x0  }
0x12c: {  	[sflag:s0] =	ssyncadd.s32 @!p0 s1  }
0x12d: {  	[bflag:$0x3] =	sbarrier.arrive $0xFFFF  }
0x12e: {  	_ =	shalt  }

// kernel: kernel.9.cloned.1.call-start
scs
__scs_entry_jumppad:
0x0: {  	(pc) =	sbr.rel $0x88, $3  }
0x1: {  	(tag) =	ssettag $0x0;
	lr =	simm.s32 $0x1  }
0x2: {  	[smem:$0x3F9D] =	sst lr;
	_ =	strace $0xD0000000  }
0x3: {  	_ = 	snop  }
0x4: {  	_ = 	snop  }
0x5: {  	_ = 	snop  }
0x6: {  	_ = 	snop  }
0x7: {  	_ = 	snop  }
__scs_overlays_trampoline_lowered:
0x8: {  	[smem:$0x3FAC] =	sst s0  }
0x9: {  	[smem:$0x3FAD] =	sst s1  }
0xa: {  	[smem:$0x3FAE] =	sst s2  }
0xb: {  	[smem:$0x3FAF] =	sst s3  }
0xc: {  	[smem:$0x3FB0] =	sst s4  }
0xd: {  	[smem:$0x3FB1] =	sst s5  }
0xe: {  	[smem:$0x3FB2] =	sst s6  }
0xf: {  	[smem:$0x3FB3] =	sst s7  }
0x10: {  	[smem:$0x3FB4] =	sst s8  }
0x11: {  	[smem:$0x3FB5] =	sst s9;
	s0 =	simm.s32 @!p0 $0x0  }
0x12: {  	s1 =	sld [smem:$0x3F9B];
	s0 =	simm.s32 @p0 $0x1  }
0x13: {  	[smem:$0x3FB6] =	sst s0;
	s0 =	simm.s32 @!p1 $0x0  }
0x14: {  	s2 =	sld [smem:$0x3F9A];
	s0 =	simm.s32 @p1 $0x1  }
0x15: {  	[smem:$0x3FB7] =	sst s0;
	s0 =	simm.s32 @!p2 $0x0  }
0x16: {  	s3 =	sld [smem:$0x3FDB];
	s0 =	simm.s32 @p2 $0x1  }
0x17: {  	s4 =	simm.s32 $0x1BF5;
	[smem:$0x3FB9] =	sst s0  }
0x18: {  	s0 =	sld [smem:$0x3F9C];
	_ =	swait.ge [sflag:s4], $0x0  }
0x19: {  	s7 =	sld [smem:$0x3F9D]  }
0x1a: {  	s8 =	sadd.s32 $0xFFFFE003, lr  }
0x1b: {  	s9 =	sadd.s32 $0xFFFFFEF7, lr;
	s5 =	simm.s32 $0xFFFFFFFF;
	p2 =	slt.u32 s8, $0xFFFFF086  }
0x1c: {  	p1 =	slt.u32 s9, $0xF7A;
	s5 =	simm.s32 @!p2 $0x0  }
0x1d: {  	s5 =	simm.s32 @p1 $0x1;
	p0 =	seq.s32 s7, s2  }
0x1e: {  	s7 =	smul.u32 @!p0 $0xF7A, s2;
	p2 =	seq.s32 @!p0 s5, $0x0  }
0x1f: {  	s9 =	smul.u32 $0xF7A, s1;
	s8 =	simm.s32 @!p0 $0x1BF5;
	p2 =	por !p2, p0  }
0x20: {  	[sflag:s8] =	ssyncset.s32 @!p0 $0xFFFFF086;
	s6 =	sadd.s32 @!p0 s3, s7;
	s7 =	simm.s32 @!p0 $0x108  }
0x21: {  	s3 =	sadd.s32 s3, s9;
	s6 =	sadd.s32 @!p0 $0x88, s6;
	s7 =	simm.s32 @p2 $0x1082  }
0x22: {  	[simem:s7], [sflag:s8] =	dma.local @!p0 [hbm:s6], $0xF7A  }
0x23: {  	s9 =	sor.u32 $0xD0000000, s2;
	s6 =	simm.s32 $0x108;
	_ =	swait.ge @!p0 [sflag:s8], $0x0  }
0x24: {  	s3 =	sadd.s32 $0x88, s3;
	s6 =	simm.s32 @!p1 $0x1082;
	[sflag:s4] =	ssyncset.s32 $0xFFFFF086  }
0x25: {  	[simem:s6], [sflag:s4] =	dma.local [hbm:s3], $0xF7A  }
0x26: {  	[smem:$0x3F9D] =	sst s1;
	(tag) =	ssettag s2;
	_ =	strace s9  }
0x27: {  	s1 =	sld [smem:$0x3FAD]  }
0x28: {  	s2 =	sld [smem:$0x3FAE]  }
0x29: {  	s4 =	sld [smem:$0x3FB0]  }
0x2a: {  	p0 =	seq.s32 s5, $0x0;
	s5 =	sld [smem:$0x3FB1]  }
0x2b: {  	s6 =	sld [smem:$0x3FB2]  }
0x2c: {  	s7 =	sld [smem:$0x3FB3]  }
0x2d: {  	s3 =	simm.s32 $0x108;
	s8 =	sld [smem:$0x3FB4]  }
0x2e: {  	s3 =	simm.s32 @!p0 $0x1082;
	s9 =	sld [smem:$0x3FB5]  }
0x2f: {  	lr =	sadd.s32 s0, s3;
	s0 =	sld [smem:$0x3FAC]  }
0x30: {  	s3 =	sld [smem:$0x3FAF]  }
0x31: {  	[smem:$0x3FB8] =	sst s10  }
0x32: {  	s10 =	sld [smem:$0x3FB6];
	_ =	sdelay $0x3  }
0x33: {  	p0 =	seq.s32 s10, $0x1;
	s10 =	sld [smem:$0x3FB8];
	_ =	sdelay $0x3  }
0x34: {  	[smem:$0x3FB8] =	sst s10  }
0x35: {  	s10 =	sld [smem:$0x3FB7];
	_ =	sdelay $0x3  }
0x36: {  	p1 =	seq.s32 s10, $0x1;
	s10 =	sld [smem:$0x3FB8];
	_ =	sdelay $0x3  }
0x37: {  	[smem:$0x3FB8] =	sst s10  }
0x38: {  	s10 =	sld [smem:$0x3FB9]  }
0x39: {  	_ = 	snop;
	(pc) =	sbr.ind lr, $3  }
0x3a: {  	_ = 	snop  }
0x3b: {  	_ = 	snop  }
0x3c: {  	p2 =	seq.s32 s10, $0x1;
	s10 =	sld [smem:$0x3FB8]  }
0x3d: {  	_ =	shalt  }
0x3e: {  	_ =	shalt  }
0x3f: {  	_ =	shalt  }
0x40: {  	_ =	shalt  }
0x41: {  	_ =	shalt  }
0x42: {  	_ =	shalt  }
0x43: {  	_ =	shalt  }
0x44: {  	_ =	shalt  }
0x45: {  	_ =	shalt  }
0x46: {  	_ =	shalt  }
0x47: {  	_ =	shalt  }
0x48: {  	_ =	shalt  }
0x49: {  	_ =	shalt  }
0x4a: {  	_ =	shalt  }
0x4b: {  	_ =	shalt  }
0x4c: {  	_ =	shalt  }
0x4d: {  	_ =	shalt  }
0x4e: {  	_ =	shalt  }
0x4f: {  	_ =	shalt  }
0x50: {  	_ =	shalt  }
0x51: {  	_ =	shalt  }
0x52: {  	_ =	shalt  }
0x53: {  	_ =	shalt  }
0x54: {  	_ =	shalt  }
0x55: {  	_ =	shalt  }
0x56: {  	_ =	shalt  }
0x57: {  	_ =	shalt  }
0x58: {  	_ =	shalt  }
0x59: {  	_ =	shalt  }
0x5a: {  	_ =	shalt  }
0x5b: {  	_ =	shalt  }
0x5c: {  	_ =	shalt  }
0x5d: {  	_ =	shalt  }
0x5e: {  	_ =	shalt  }
0x5f: {  	_ =	shalt  }
0x60: {  	_ =	shalt  }
0x61: {  	_ =	shalt  }
0x62: {  	_ =	shalt  }
0x63: {  	_ =	shalt  }
0x64: {  	_ =	shalt  }
0x65: {  	_ =	shalt  }
0x66: {  	_ =	shalt  }
0x67: {  	_ =	shalt  }
0x68: {  	_ =	shalt  }
0x69: {  	_ =	shalt  }
0x6a: {  	_ =	shalt  }
0x6b: {  	_ =	shalt  }
0x6c: {  	_ =	shalt  }
0x6d: {  	_ =	shalt  }
0x6e: {  	_ =	shalt  }
0x6f: {  	_ =	shalt  }
0x70: {  	_ =	shalt  }
0x71: {  	_ =	shalt  }
0x72: {  	_ =	shalt  }
0x73: {  	_ =	shalt  }
0x74: {  	_ =	shalt  }
0x75: {  	_ =	shalt  }
0x76: {  	_ =	shalt  }
0x77: {  	_ =	shalt  }
0x78: {  	_ =	shalt  }
0x79: {  	_ =	shalt  }
0x7a: {  	_ =	shalt  }
0x7b: {  	_ =	shalt  }
0x7c: {  	_ =	shalt  }
0x7d: {  	_ =	shalt  }
0x7e: {  	_ =	shalt  }
0x7f: {  	_ =	shalt  }
0x80: {  	_ =	shalt  }
0x81: {  	_ =	shalt  }
0x82: {  	_ =	shalt  }
0x83: {  	_ =	shalt  }
0x84: {  	_ =	shalt  }
0x85: {  	_ =	shalt  }
0x86: {  	_ =	shalt  }
0x87: {  	_ =	shalt  }
.Lfunc_end0:
.L_simem_size_0:
called_computation.1_lowered:
.L_overlay_start_0:
0x88: {  	s2 =	sld [smem:$0x3FD9]  }
0x89: {  	s3 =	sld [smem:$0x3FFE];
	_ =	sdelay $0x1  }
0x8a: {  	s1 =	srdreg.scid  }
0x8b: {  	s0 =	sand.u32 $0x1, s1  }
0x8c: {  	s17 =	sshll.u32 s0, $0xA;
	s2 =	sadd.s32 s3, s2  }
0x8d: {  	s2 =	sadd.s32 s2, s17  }
0x8e: {  	[smem:$0x3FC4] =	sst s2  }
0x8f: {  	_ = 	snop  }
0x90: {  	s2 =	sld [smem:$0x3FD0];
	(tm) =	ssettm $0x1  }
0x91: {  	s18 =	sld [smem:$0x3FFB];
	_ =	sdelay $0x3  }
0x92: {  	_ =	strace s18  }
0x93: {  	s3 =	sld [smem:$0x3FFC];
	_ =	sdelay $0x3  }
0x94: {  	_ =	strace s3  }
0x95: {  	s3 =	sld [smem:$0x3FFD];
	_ =	sdelay $0x3  }
0x96: {  	_ =	strace s3  }
0x97: {  	_ =	strace $0x8FFFFFFF  }
0x98: {  	s19 =	sld [smem:$0x3FDB];
	_ =	sdelay $0x1  }
0x99: {  	s4 =	simm.s32 $_scs_section_size  }
0x9a: {  	s5 =	simm.s32 $_size__tile_overlayer_lowered;
	s6 =	simm.s32 $_tile_overlayer_lowered  }
0x9b: {  	s22 =	simm.s32 $0x1BFF;
	s21 =	sshll.u32 s6, $0x1;
	s3 =	sadd.s32 s4, s19  }
0x9c: {  	s7 =	simm.s32 $0x0;
	s20 =	sshll.u32 s5, $0x1;
	s5 =	sadd.s32 s21, s3  }
0x9d: {  	[timem:s7], [sflag:s22] =	dma.local [hbm:s5], s20  }
0x9e: {  	_ =	swait.ge [sflag:s22], s20  }
0x9f: {  	s4 =	ssub.s32 $0x0, s20;
	[sflag:s22] =	ssyncset.done $0x0  }
0xa0: {  	[sflag:s22] =	ssyncadd.s32 s4;
	_ =	sdelay $0x1  }
0xa1: {  	s23 =	simm.s32 $0x1B8B  }
0xa2: {  	_ =	swait.ge [sflag:s23], $0x1  }
0xa3: {  	[sflag:s23] =	ssyncset.done $0x0  }
0xa4: {  	s25 =	simm.s32 $0x1B8E;
	s24 =	sld [smem:$0x3FFE];
	[sflag:s23] =	ssyncadd.s32 $0xFFFFFFFF  }
0xa5: {  	s26 =	simm.s32 $execute0_lowered;
	[smem:$0x3FD2] =	sst s25  }
0xa6: {  	s5 =	sshll.u32 s26, $0x1;
	_ =	strace $0x80000049;
	[dreg:$0x1] =	wrdreg $0xFFFFFFFF  }
0xa7: {  	s28 =	simm.s32 $_size_execute0_lowered;
	s3 =	sadd.s32 s3, s5;
	[dreg:$0x0] =	wrdreg $0x0  }
0xa8: {  	s5 =	sshll.u32 s28, $0x1;
	[dreg:$0x2] =	wrdreg s3  }
0xa9: {  	[dreg:$0x3] =	wrdreg s5  }
0xaa: {  	[dreg:$0x4] =	wrdreg $0xC0  }
0xab: {  	_ =	task [dreg:s7], $0x5FFFF  }
0xac: {  	[dreg:$0x1] =	wrdreg $0xFFFFFFFF  }
0xad: {  	[dreg:$0x0] =	wrdreg $0x60  }
0xae: {  	[dreg:$0x2] =	wrdreg s24  }
0xaf: {  	[dreg:$0x3] =	wrdreg s2  }
0xb0: {  	[dreg:$0x4] =	wrdreg $0x9  }
0xb1: {  	_ =	task.clear_ibuf [dreg:s7], $0x5FFFF;
	_ =	strace $0x90000049  }
0xb2: {  	s29 =	simm.s32 $0x9;
	_ =	strace $0x8000004B  }
0xb3: {  	_ =	swait.ge [sflag:s29], $0x1  }
0xb4: {  	[sflag:s29] =	ssyncadd.s32 $0xFFFFFFFF  }
0xb5: {  	_ =	strace $0x9000004B  }
0xb6: {  	_ =	sfence  }
0xb7: {  	s30 =	sld [smem:$0x0];
	_ =	sdelay $0x2  }
0xb8: {  	s31 =	sshll.u32 s1, $0xD;
	s1 =	sshrl.u32 s1, $0x2  }
0xb9: {  	s3 =	sand.u32 $0x4000, s31;
	s1 =	sadd.s32 s1, s30  }
0xba: {  	s0 =	sor.u32 s3, s0;
	s1 =	sshll.u32 s1, $0x11  }
0xbb: {  	s0 =	sor.u32 s1, s0  }
0xbc: {  	s0 =	sadd.s32 $0x8F2B, s0  }
0xbd: {  	[sflag:s0] =	ssyncadd.remote.s32 $0x1  }
0xbe: {  	_ =	sfence.sel $0xFFFF  }
0xbf: {  	[dreg:$0x0] =	wrdreg $0xFFFFFFFF;
	(pc) =	sbr.abs _section_cstart, $3  }
0xc0: {  	[dreg:$0x1] =	wrdreg $0xFFFFFFFF  }
0xc1: {  	_ =	task.clear_ibuf [dreg:s7], $0x2FFFF;
	_ =	strace $0x9FFFFFFF  }
0xc2: {  	(tm) =	ssettm $0x7FFFFFFF  }
0xc3: {  	_ =	shalt  }
tec
execute0_lowered:
.L_overlay_start_1:
0x0: {  	(tag) =	ssettag $0x1  }
0x1: {  	s0 =	srdreg.scid;
	s2 =	rddreg [dreg:$0x0]  }
0x2: {  	s3 =	stileid.u32;
	s1 =	rddreg [dreg:$0x1]  }
0x3: {  	s14 =	simm.s32 $0x2;
	s16 =	simm.s32 $0x100;
	s17 =	simm.s32 $0x180  }
0x4: {  	s18 =	simm.s32 $0x200;
	s13 =	simm.s32 $0xAA00;
	s19 =	simm.s32 $0xB200  }
0x5: {  	s20 =	simm.s32 $0xBA00;
	s21 =	simm.s32 $0xC200;
	s22 =	simm.s32 $0xCA00  }
0x6: {  	s23 =	simm.s32 $0xD200;
	s24 =	simm.s32 $0xDA00;
	s10 =	simm.s32 $0xF200  }
0x7: {  	s28 =	simm.s32 $0xFA00;
	s29 =	simm.s32 $0x10200;
	s0 =	sand.u32 $0x1, s0  }
0x8: {  	s4 =	sshll.u32 s3, $0x7;
	s3 =	simm.s32 $0x0;
	s5 =	sshll.u32 s0, $0x6  }
0x9: {  	[smem:$0x7FF] =	sst s3;
	s0 =	ssub.s32 $0x2, s0;
	s4 =	sor.u32 s5, s4  }
0xa: {  	s6 =	sshrl.u32 s0, $0x1;
	s5 =	sshrl.u32 s4, $0x3;
	s4 =	sshll.u32 s4, $0x7  }
0xb: {  	_ =	strace $0x8000004A;
	s0 =	ssub.s32 s0, s6;
	s1 =	sadd.s32 s1, s4  }
0xc: {  	s5 =	sadd.s32 s5, s2;
	s0 =	smax.u32 s0, $0x1;
	[dreg:$0x7] =	wrdreg s1  }
0xd: {  	s30 =	simm.s32 $0x0;
	s25 =	sadd.s32 $0xA0200, s5;
	[dreg:$0x9] =	wrdreg s0  }
0xe: {  	s8 =	sadd.s32 $0x100, s2;
	s26 =	sadd.s32 $0xA0400, s5;
	[dreg:$0x3] =	wrdreg s25  }
0xf: {  	s9 =	sadd.s32 $0x200, s2;
	s31 =	sadd.s32 $0xA0600, s5;
	[dreg:$0x4] =	wrdreg s26  }
0x10: {  	v2 =	vlaneseq.u32;
	s11 =	sadd.s32 $0x300, s2;
	s5 =	sadd.s32 $0xA0800, s5;
	[dreg:$0x5] =	wrdreg s31  }
0x11: {  	vm0 =	vmmov $0xffff;
	v1 =	vshrl.u32 v2, $0x3;
	s4 =	simm.s32 $0x1;
	s1 =	sadd.s32 $0x1000, s1;
	[dreg:$0x6] =	wrdreg s5  }
0x12: {  	v0 =	vand.u32 $0x7, v2;
	v2 =	vor.u32 $0x8, v2;
	v1 =	vmul.u32 $0x8, v1;
	[dreg:$0x8] =	wrdreg s1;
	s25 =	simm.s32 $0xE200;
	s26 =	simm.s32 $0xEA00  }
.LBB2_1:
0x13: {  	s0 =	rddreg [dreg:$0x3]  }
0x14: {  	[tilespmem:s3], [sflag:$0x2] =	stream.linear.gather [hbm4b:s0+s3], $0x40, $0x38;
	[tilespmem:$0x18200] =	vst v63  }
0x15: {  	_ =	swait.ge [sflag:s14], $0x40  }
0x16: {  	[sflag:s14] =	ssyncset.done $0x0  }
0x17: {  	s1 =	simm.s32 $0x80;
	s5 =	rddreg [dreg:$0x4];
	[sflag:s14] =	ssyncadd.s32 $0xFFFFFFC0  }
0x18: {  	[tilespmem:s1], [sflag:$0x2] =	stream.linear.gather [hbm4b:s5+s3], $0x40, $0x38;
	[tilespmem:$0x18200] =	vst v63  }
0x19: {  	_ =	swait.ge [sflag:s14], $0x40  }
0x1a: {  	[sflag:s14] =	ssyncset.done $0x0  }
0x1b: {  	s6 =	rddreg [dreg:$0x5];
	[sflag:s14] =	ssyncadd.s32 $0xFFFFFFC0  }
0x1c: {  	[tilespmem:s16], [sflag:$0x2] =	stream.linear.gather [hbm4b:s6+s3], $0x40, $0x38;
	[tilespmem:$0x18200] =	vst v63  }
0x1d: {  	_ =	swait.ge [sflag:s14], $0x40  }
0x1e: {  	[sflag:s14] =	ssyncset.done $0x0  }
0x1f: {  	s7 =	rddreg [dreg:$0x6];
	[sflag:s14] =	ssyncadd.s32 $0xFFFFFFC0  }
0x20: {  	[tilespmem:s17], [sflag:$0x2] =	stream.linear.gather [hbm4b:s7+s3], $0x40, $0x38;
	[tilespmem:$0x18200] =	vst v63  }
0x21: {  	_ =	swait.ge [sflag:s14], $0x40  }
0x22: {  	[sflag:s14] =	ssyncset.done $0x0  }
0x23: {  	[sflag:s14] =	ssyncadd.s32 $0xFFFFFFC0  }
0x24: {  	v3 =	vld [tilespmem:$0x0];
	_ =	sdelay $0x4  }
0x25: {  	v4 =	vshll.u32 v3, $0x3  }
0x26: {  	v3 =	vand.u32 $0x7, v3;
	v4 =	vand.u32 $0xFFFFFFC0, v4  }
0x27: {  	v3 =	vor.u32 v3, v4  }
0x28: {  	v4 =	vperm.xlane v3, v0;
	_ =	sdelay $0x1  }
0x29: {  	v4 =	vadd.s32 v1, v4;
	_ =	sdelay $0x4  }
0x2a: {  	[tilespmem:s18], [sflag:$0x1] =	stream.indirect_vreg.gather [hbm4b:s2+s3], $0x80, v4, vm0, $0xb8;
	[tilespmem:$0x18200] =	vst v63  }
0x2b: {  	s12 =	simm.s32 $0xA00;
	v3 =	vperm.xlane v3, v2  }
0x2c: {  	[tilespmem:s12], [sflag:$0x1] =	stream.indirect_vreg.gather [hbm4b:s8+s3], $0x80, v4, vm0, $0xb8;
	[tilespmem:$0x18200] =	vst v63  }
0x2d: {  	s15 =	simm.s32 $0x1200;
	v3 =	vadd.s32 v1, v3  }
0x2e: {  	[tilespmem:s15], [sflag:$0x1] =	stream.indirect_vreg.gather [hbm4b:s9+s3], $0x80, v4, vm0, $0xb8;
	[tilespmem:$0x18200] =	vst v63  }
0x2f: {  	s1 =	simm.s32 $0x1A00  }
0x30: {  	[tilespmem:s1], [sflag:$0x1] =	stream.indirect_vreg.gather [hbm4b:s11+s3], $0x80, v4, vm0, $0xb8;
	[tilespmem:$0x18200] =	vst v63  }
0x31: {  	s5 =	simm.s32 $0x2200  }
0x32: {  	[tilespmem:s5], [sflag:$0x1] =	stream.indirect_vreg.gather [hbm4b:s2+s3], $0x80, v3, vm0, $0xb8;
	[tilespmem:$0x18200] =	vst v63  }
0x33: {  	s6 =	simm.s32 $0x2A00  }
0x34: {  	[tilespmem:s6], [sflag:$0x1] =	stream.indirect_vreg.gather [hbm4b:s8+s3], $0x80, v3, vm0, $0xb8;
	[tilespmem:$0x18200] =	vst v63  }
0x35: {  	s7 =	simm.s32 $0x3200  }
0x36: {  	[tilespmem:s7], [sflag:$0x1] =	stream.indirect_vreg.gather [hbm4b:s9+s3], $0x80, v3, vm0, $0xb8;
	[tilespmem:$0x18200] =	vst v63  }
0x37: {  	s12 =	simm.s32 $0x3A00  }
0x38: {  	[tilespmem:s12], [sflag:$0x1] =	stream.indirect_vreg.gather [hbm4b:s11+s3], $0x80, v3, vm0, $0xb8;
	[tilespmem:$0x18200] =	vst v63  }
0x39: {  	v3 =	vld [tilespmem:$0x10];
	_ =	sdelay $0x4  }
0x3a: {  	v61 =	vshll.u32 v3, $0x3  }
0x3b: {  	v3 =	vand.u32 $0x7, v3;
	v4 =	vand.u32 $0xFFFFFFC0, v61  }
0x3c: {  	v3 =	vor.u32 v3, v4  }
0x3d: {  	v4 =	vperm.xlane v3, v0;
	_ =	sdelay $0x1  }
0x3e: {  	v4 =	vadd.s32 v1, v4;
	_ =	sdelay $0x3  }
0x3f: {  	s15 =	simm.s32 $0x4200  }
0x40: {  	[tilespmem:s15], [sflag:$0x1] =	stream.indirect_vreg.gather [hbm4b:s2+s3], $0x80, v4, vm0, $0xb8;
	[tilespmem:$0x18200] =	vst v63  }
0x41: {  	s1 =	simm.s32 $0x4A00;
	v3 =	vperm.xlane v3, v2  }
0x42: {  	[tilespmem:s1], [sflag:$0x1] =	stream.indirect_vreg.gather [hbm4b:s8+s3], $0x80, v4, vm0, $0xb8;
	[tilespmem:$0x18200] =	vst v63  }
0x43: {  	s5 =	simm.s32 $0x5200;
	v3 =	vadd.s32 v1, v3  }
0x44: {  	[tilespmem:s5], [sflag:$0x1] =	stream.indirect_vreg.gather [hbm4b:s9+s3], $0x80, v4, vm0, $0xb8;
	[tilespmem:$0x18200] =	vst v63  }
0x45: {  	s6 =	simm.s32 $0x5A00  }
0x46: {  	[tilespmem:s6], [sflag:$0x1] =	stream.indirect_vreg.gather [hbm4b:s11+s3], $0x80, v4, vm0, $0xb8;
	[tilespmem:$0x18200] =	vst v63  }
0x47: {  	s7 =	simm.s32 $0x6200  }
0x48: {  	[tilespmem:s7], [sflag:$0x1] =	stream.indirect_vreg.gather [hbm4b:s2+s3], $0x80, v3, vm0, $0xb8;
	[tilespmem:$0x18200] =	vst v63  }
0x49: {  	s12 =	simm.s32 $0x6A00  }
0x4a: {  	[tilespmem:s12], [sflag:$0x1] =	stream.indirect_vreg.gather [hbm4b:s8+s3], $0x80, v3, vm0, $0xb8;
	[tilespmem:$0x18200] =	vst v63  }
0x4b: {  	s15 =	simm.s32 $0x7200  }
0x4c: {  	[tilespmem:s15], [sflag:$0x1] =	stream.indirect_vreg.gather [hbm4b:s9+s3], $0x80, v3, vm0, $0xb8;
	[tilespmem:$0x18200] =	vst v63  }
0x4d: {  	s1 =	simm.s32 $0x7A00  }
0x4e: {  	[tilespmem:s1], [sflag:$0x1] =	stream.indirect_vreg.gather [hbm4b:s11+s3], $0x80, v3, vm0, $0xb8;
	[tilespmem:$0x18200] =	vst v63  }
0x4f: {  	_ =	swait.ge [sflag:s4], $0x8000  }
0x50: {  	[sflag:s4] =	ssyncset.done $0x0  }
0x51: {  	[sflag:s4] =	ssyncadd.s32 $0xFFFF8000  }
0x52: {  	v3 =	vld [tilespmem:$0x80];
	_ =	sdelay $0x4  }
0x53: {  	v62 =	vshll.u32 v3, $0x3  }
0x54: {  	v3 =	vand.u32 $0x7, v3;
	v4 =	vand.u32 $0xFFFFFFC0, v62  }
0x55: {  	v3 =	vor.u32 v3, v4  }
0x56: {  	v4 =	vperm.xlane v3, v0;
	_ =	sdelay $0x1  }
0x57: {  	v4 =	vadd.s32 v1, v4;
	_ =	sdelay $0x3  }
0x58: {  	s5 =	simm.s32 $0x8200  }
0x59: {  	[tilespmem:s5], [sflag:$0x1] =	stream.indirect_vreg.gather [hbm4b:s2+s3], $0x80, v4, vm0, $0xb8;
	[tilespmem:$0x18200] =	vst v63  }
0x5a: {  	s6 =	simm.s32 $0x8A00;
	v3 =	vperm.xlane v3, v2  }
0x5b: {  	[tilespmem:s6], [sflag:$0x1] =	stream.indirect_vreg.gather [hbm4b:s8+s3], $0x80, v4, vm0, $0xb8;
	[tilespmem:$0x18200] =	vst v63  }
0x5c: {  	s7 =	simm.s32 $0x9200;
	v3 =	vadd.s32 v1, v3  }
0x5d: {  	[tilespmem:s7], [sflag:$0x1] =	stream.indirect_vreg.gather [hbm4b:s9+s3], $0x80, v4, vm0, $0xb8;
	[tilespmem:$0x18200] =	vst v63  }
0x5e: {  	s12 =	simm.s32 $0x9A00  }
0x5f: {  	[tilespmem:s12], [sflag:$0x1] =	stream.indirect_vreg.gather [hbm4b:s11+s3], $0x80, v4, vm0, $0xb8;
	[tilespmem:$0x18200] =	vst v63  }
0x60: {  	s15 =	simm.s32 $0xA200  }
0x61: {  	[tilespmem:s15], [sflag:$0x1] =	stream.indirect_vreg.gather [hbm4b:s2+s3], $0x80, v3, vm0, $0xb8;
	[tilespmem:$0x18200] =	vst v63  }
0x62: {  	_ = 	snop  }
0x63: {  	[tilespmem:s13], [sflag:$0x1] =	stream.indirect_vreg.gather [hbm4b:s8+s3], $0x80, v3, vm0, $0xb8;
	[tilespmem:$0x18200] =	vst v63  }
0x64: {  	_ = 	snop  }
0x65: {  	[tilespmem:s19], [sflag:$0x1] =	stream.indirect_vreg.gather [hbm4b:s9+s3], $0x80, v3, vm0, $0xb8;
	[tilespmem:$0x18200] =	vst v63  }
0x66: {  	_ = 	snop  }
0x67: {  	[tilespmem:s20], [sflag:$0x1] =	stream.indirect_vreg.gather [hbm4b:s11+s3], $0x80, v3, vm0, $0xb8;
	[tilespmem:$0x18200] =	vst v63  }
0x68: {  	v3 =	vld [tilespmem:$0x90];
	_ =	sdelay $0x4  }
0x69: {  	v63 =	vshll.u32 v3, $0x3  }
0x6a: {  	v3 =	vand.u32 $0x7, v3;
	v4 =	vand.u32 $0xFFFFFFC0, v63  }
0x6b: {  	v3 =	vor.u32 v3, v4  }
0x6c: {  	v4 =	vperm.xlane v3, v0;
	_ =	sdelay $0x1  }
0x6d: {  	v4 =	vadd.s32 v1, v4;
	_ =	sdelay $0x4  }
0x6e: {  	[tilespmem:s21], [sflag:$0x1] =	stream.indirect_vreg.gather [hbm4b:s2+s3], $0x80, v4, vm0, $0xb8;
	[tilespmem:$0x18200] =	vst v63  }
0x6f: {  	v3 =	vperm.xlane v3, v2  }
0x70: {  	[tilespmem:s22], [sflag:$0x1] =	stream.indirect_vreg.gather [hbm4b:s8+s3], $0x80, v4, vm0, $0xb8;
	[tilespmem:$0x18200] =	vst v63  }
0x71: {  	v3 =	vadd.s32 v1, v3  }
0x72: {  	[tilespmem:s23], [sflag:$0x1] =	stream.indirect_vreg.gather [hbm4b:s9+s3], $0x80, v4, vm0, $0xb8;
	[tilespmem:$0x18200] =	vst v63  }
0x73: {  	_ = 	snop  }
0x74: {  	[tilespmem:s24], [sflag:$0x1] =	stream.indirect_vreg.gather [hbm4b:s11+s3], $0x80, v4, vm0, $0xb8;
	[tilespmem:$0x18200] =	vst v63  }
0x75: {  	_ = 	snop  }
0x76: {  	[tilespmem:s25], [sflag:$0x1] =	stream.indirect_vreg.gather [hbm4b:s2+s3], $0x80, v3, vm0, $0xb8;
	[tilespmem:$0x18200] =	vst v63  }
0x77: {  	_ = 	snop  }
0x78: {  	[tilespmem:s26], [sflag:$0x1] =	stream.indirect_vreg.gather [hbm4b:s8+s3], $0x80, v3, vm0, $0xb8;
	[tilespmem:$0x18200] =	vst v63  }
0x79: {  	_ = 	snop  }
0x7a: {  	[tilespmem:s10], [sflag:$0x1] =	stream.indirect_vreg.gather [hbm4b:s9+s3], $0x80, v3, vm0, $0xb8;
	[tilespmem:$0x18200] =	vst v63  }
0x7b: {  	_ = 	snop  }
0x7c: {  	[tilespmem:s28], [sflag:$0x1] =	stream.indirect_vreg.gather [hbm4b:s11+s3], $0x80, v3, vm0, $0xb8;
	[tilespmem:$0x18200] =	vst v63  }
0x7d: {  	_ =	swait.ge [sflag:s4], $0x8000  }
0x7e: {  	[sflag:s4] =	ssyncset.done $0x0  }
0x7f: {  	s31 =	simm.s32 $0x0;
	[sflag:s4] =	ssyncadd.s32 $0xFFFF8000  }
.LBB2_2:
0x80: {  	v4 =	vmov s31;
	_ =	sdelay $0x1  }
0x81: {  	s0 =	sshll.u32 s31, $0xA;
	s1 =	sshll.u32 s31, $0x7  }
0x82: {  	s5 =	simm.s32 $0x0;
	s0 =	sand.u32 $0x6000, s0;
	s1 =	sand.u32 $0x380, s1  }
0x83: {  	s12 =	sand.u32 $0x1C00, s5;
	s1 =	sor.u32 s0, s1  }
0x84: {  	s5 =	sand.u32 $0x70, s5;
	s0 =	sor.u32 s12, s1;
	v3 =	vld.idx.msk [tilespmem:v4+s16+$0x0], $0xffff  }
0x85: {  	s0 =	sor.u32 s5, s0;
	v4 =	vld.idx.msk [tilespmem:v4+s17+$0x0], $0xffff  }
0x86: {  	v5 =	vld [tilespmem:s0+$0x200]  }
0x87: {  	v6 =	vld [tilespmem:s0+$0x8200]  }
0x88: {  	s15 =	simm.s32 $0x80  }
0x89: {  	s6 =	simm.s32 $0x10;
	s5 =	sand.u32 $0x1C00, s15  }
0x8a: {  	s6 =	sand.u32 $0x70, s6;
	s5 =	sor.u32 s5, s1  }
0x8b: {  	s15 =	sor.u32 s6, s5  }
0x8c: {  	v7 =	vmul.f32 v5, v3;
	v8 =	vmul.f32 v6, v4;
	v5 =	vld [tilespmem:s15+$0x200]  }
0x8d: {  	v6 =	vld [tilespmem:s15+$0x8200]  }
0x8e: {  	s5 =	simm.s32 $0x20;
	s6 =	simm.s32 $0x100;
	v7 =	vadd.f32 v8, v7  }
.LBB2_3:
0x8f: {  	s7 =	sand.u32 $0x70, s5;
	s12 =	sand.u32 $0x1C00, s6;
	p0 =	sne.s32 s5, $0x3F0  }
.Ltmp0:
0x90: {  	s5 =	sadd.s32 $0x10, s5;
	s12 =	sor.u32 s12, s1;
	[tilespmem:s0+$0x10200] =	vst v7;
	(pc) =	sbr.rel @p0 .LBB2_3-.Ltmp0, $4  }
0x91: {  	s0 =	smov.u32 s15;
	s15 =	sor.u32 s7, s12  }
0x92: {  	v7 =	vmul.f32 v5, v3;
	v5 =	vld [tilespmem:s15+$0x200];
	v8 =	vmul.f32 v6, v4  }
0x93: {  	v6 =	vld [tilespmem:s15+$0x8200]  }
0x94: {  	s6 =	sadd.s32 $0x80, s6;
	v7 =	vadd.f32 v8, v7  }
0x95: {  	_ = 	snop  }
0x96: {  	s31 =	sadd.s32 $0x1, s31  }
0x97: {  	p0 =	sne.s32 s31, $0x20  }
.Ltmp1:
0x98: {  	v3 =	vmul.f32 v5, v3;
	v4 =	vmul.f32 v6, v4;
	(pc) =	sbr.rel @p0 .LBB2_2-.Ltmp1, $4  }
0x99: {  	_ = 	snop  }
0x9a: {  	v3 =	vadd.f32 v4, v3  }
0x9b: {  	[tilespmem:s0+$0x10200] =	vst v7  }
0x9c: {  	[tilespmem:s15+$0x10200] =	vst v3  }
0x9d: {  	s31 =	simm.s32 $0x0;
	s0 =	rddreg [dreg:$0x7]  }
0x9e: {  	[hbm4b:s0+s31] =	stream.linear.scatter [tilespmem:s29], [sflag:$0x2], $0x8000, $0x38;
	[tilespmem:$0x18200] =	vst v63  }
0x9f: {  	_ =	swait.ge [sflag:s14], $0x8000  }
0xa0: {  	[sflag:s14] =	ssyncset.done $0x0  }
0xa1: {  	[sflag:s14] =	ssyncadd.s32 $0xFFFF8000  }
0xa2: {  	v3 =	vld [tilespmem:$0x20];
	_ =	sdelay $0x4  }
0xa3: {  	v4 =	vshll.u32 v3, $0x3  }
0xa4: {  	v3 =	vand.u32 $0x7, v3;
	v4 =	vand.u32 $0xFFFFFFC0, v4  }
0xa5: {  	v3 =	vor.u32 v3, v4  }
0xa6: {  	v4 =	vperm.xlane v3, v0;
	_ =	sdelay $0x1  }
0xa7: {  	v4 =	vadd.s32 v1, v4;
	_ =	sdelay $0x4  }
0xa8: {  	[tilespmem:s18], [sflag:$0x1] =	stream.indirect_vreg.gather [hbm4b:s2+s31], $0x80, v4, vm0, $0xb8;
	[tilespmem:$0x18200] =	vst v63  }
0xa9: {  	s5 =	simm.s32 $0xA00;
	v3 =	vperm.xlane v3, v2  }
0xaa: {  	[tilespmem:s5], [sflag:$0x1] =	stream.indirect_vreg.gather [hbm4b:s8+s31], $0x80, v4, vm0, $0xb8;
	[tilespmem:$0x18200] =	vst v63  }
0xab: {  	s6 =	simm.s32 $0x1200;
	v3 =	vadd.s32 v1, v3  }
0xac: {  	[tilespmem:s6], [sflag:$0x1] =	stream.indirect_vreg.gather [hbm4b:s9+s31], $0x80, v4, vm0, $0xb8;
	[tilespmem:$0x18200] =	vst v63  }
0xad: {  	s7 =	simm.s32 $0x1A00  }
0xae: {  	[tilespmem:s7], [sflag:$0x1] =	stream.indirect_vreg.gather [hbm4b:s11+s31], $0x80, v4, vm0, $0xb8;
	[tilespmem:$0x18200] =	vst v63  }
0xaf: {  	s12 =	simm.s32 $0x2200  }
0xb0: {  	[tilespmem:s12], [sflag:$0x1] =	stream.indirect_vreg.gather [hbm4b:s2+s31], $0x80, v3, vm0, $0xb8;
	[tilespmem:$0x18200] =	vst v63  }
0xb1: {  	s15 =	simm.s32 $0x2A00  }
0xb2: {  	[tilespmem:s15], [sflag:$0x1] =	stream.indirect_vreg.gather [hbm4b:s8+s31], $0x80, v3, vm0, $0xb8;
	[tilespmem:$0x18200] =	vst v63  }
0xb3: {  	s18 =	simm.s32 $0x3200  }
0xb4: {  	[tilespmem:s18], [sflag:$0x1] =	stream.indirect_vreg.gather [hbm4b:s9+s31], $0x80, v3, vm0, $0xb8;
	[tilespmem:$0x18200] =	vst v63  }
0xb5: {  	s1 =	simm.s32 $0x3A00  }
0xb6: {  	[tilespmem:s1], [sflag:$0x1] =	stream.indirect_vreg.gather [hbm4b:s11+s31], $0x80, v3, vm0, $0xb8;
	[tilespmem:$0x18200] =	vst v63  }
0xb7: {  	v3 =	vld [tilespmem:$0x30];
	_ =	sdelay $0x4  }
0xb8: {  	v61 =	vshll.u32 v3, $0x3  }
0xb9: {  	v3 =	vand.u32 $0x7, v3;
	v4 =	vand.u32 $0xFFFFFFC0, v61  }
0xba: {  	v3 =	vor.u32 v3, v4  }
0xbb: {  	v4 =	vperm.xlane v3, v0;
	_ =	sdelay $0x1  }
0xbc: {  	v4 =	vadd.s32 v1, v4;
	_ =	sdelay $0x3  }
0xbd: {  	s5 =	simm.s32 $0x4200  }
0xbe: {  	[tilespmem:s5], [sflag:$0x1] =	stream.indirect_vreg.gather [hbm4b:s2+s31], $0x80, v4, vm0, $0xb8;
	[tilespmem:$0x18200] =	vst v63  }
0xbf: {  	s6 =	simm.s32 $0x4A00;
	v3 =	vperm.xlane v3, v2  }
0xc0: {  	[tilespmem:s6], [sflag:$0x1] =	stream.indirect_vreg.gather [hbm4b:s8+s31], $0x80, v4, vm0, $0xb8;
	[tilespmem:$0x18200] =	vst v63  }
0xc1: {  	s7 =	simm.s32 $0x5200;
	v3 =	vadd.s32 v1, v3  }
0xc2: {  	[tilespmem:s7], [sflag:$0x1] =	stream.indirect_vreg.gather [hbm4b:s9+s31], $0x80, v4, vm0, $0xb8;
	[tilespmem:$0x18200] =	vst v63  }
0xc3: {  	s12 =	simm.s32 $0x5A00  }
0xc4: {  	[tilespmem:s12], [sflag:$0x1] =	stream.indirect_vreg.gather [hbm4b:s11+s31], $0x80, v4, vm0, $0xb8;
	[tilespmem:$0x18200] =	vst v63  }
0xc5: {  	s15 =	simm.s32 $0x6200  }
0xc6: {  	[tilespmem:s15], [sflag:$0x1] =	stream.indirect_vreg.gather [hbm4b:s2+s31], $0x80, v3, vm0, $0xb8;
	[tilespmem:$0x18200] =	vst v63  }
0xc7: {  	s18 =	simm.s32 $0x6A00  }
0xc8: {  	[tilespmem:s18], [sflag:$0x1] =	stream.indirect_vreg.gather [hbm4b:s8+s31], $0x80, v3, vm0, $0xb8;
	[tilespmem:$0x18200] =	vst v63  }
0xc9: {  	s1 =	simm.s32 $0x7200  }
0xca: {  	[tilespmem:s1], [sflag:$0x1] =	stream.indirect_vreg.gather [hbm4b:s9+s31], $0x80, v3, vm0, $0xb8;
	[tilespmem:$0x18200] =	vst v63  }
0xcb: {  	s5 =	simm.s32 $0x7A00  }
0xcc: {  	[tilespmem:s5], [sflag:$0x1] =	stream.indirect_vreg.gather [hbm4b:s11+s31], $0x80, v3, vm0, $0xb8;
	[tilespmem:$0x18200] =	vst v63  }
0xcd: {  	_ =	swait.ge [sflag:s4], $0x8000  }
0xce: {  	[sflag:s4] =	ssyncset.done $0x0  }
0xcf: {  	[sflag:s4] =	ssyncadd.s32 $0xFFFF8000  }
0xd0: {  	v3 =	vld [tilespmem:$0xA0];
	_ =	sdelay $0x4  }
0xd1: {  	v62 =	vshll.u32 v3, $0x3  }
0xd2: {  	v3 =	vand.u32 $0x7, v3;
	v4 =	vand.u32 $0xFFFFFFC0, v62  }
0xd3: {  	v3 =	vor.u32 v3, v4  }
0xd4: {  	v4 =	vperm.xlane v3, v0;
	_ =	sdelay $0x1  }
0xd5: {  	v4 =	vadd.s32 v1, v4;
	_ =	sdelay $0x3  }
0xd6: {  	s6 =	simm.s32 $0x8200  }
0xd7: {  	[tilespmem:s6], [sflag:$0x1] =	stream.indirect_vreg.gather [hbm4b:s2+s31], $0x80, v4, vm0, $0xb8;
	[tilespmem:$0x18200] =	vst v63  }
0xd8: {  	s7 =	simm.s32 $0x8A00;
	v3 =	vperm.xlane v3, v2  }
0xd9: {  	[tilespmem:s7], [sflag:$0x1] =	stream.indirect_vreg.gather [hbm4b:s8+s31], $0x80, v4, vm0, $0xb8;
	[tilespmem:$0x18200] =	vst v63  }
0xda: {  	s12 =	simm.s32 $0x9200;
	v3 =	vadd.s32 v1, v3  }
0xdb: {  	[tilespmem:s12], [sflag:$0x1] =	stream.indirect_vreg.gather [hbm4b:s9+s31], $0x80, v4, vm0, $0xb8;
	[tilespmem:$0x18200] =	vst v63  }
0xdc: {  	s15 =	simm.s32 $0x9A00  }
0xdd: {  	[tilespmem:s15], [sflag:$0x1] =	stream.indirect_vreg.gather [hbm4b:s11+s31], $0x80, v4, vm0, $0xb8;
	[tilespmem:$0x18200] =	vst v63  }
0xde: {  	s18 =	simm.s32 $0xA200  }
0xdf: {  	[tilespmem:s18], [sflag:$0x1] =	stream.indirect_vreg.gather [hbm4b:s2+s31], $0x80, v3, vm0, $0xb8;
	[tilespmem:$0x18200] =	vst v63  }
0xe0: {  	_ = 	snop  }
0xe1: {  	[tilespmem:s13], [sflag:$0x1] =	stream.indirect_vreg.gather [hbm4b:s8+s31], $0x80, v3, vm0, $0xb8;
	[tilespmem:$0x18200] =	vst v63  }
0xe2: {  	_ = 	snop  }
0xe3: {  	[tilespmem:s19], [sflag:$0x1] =	stream.indirect_vreg.gather [hbm4b:s9+s31], $0x80, v3, vm0, $0xb8;
	[tilespmem:$0x18200] =	vst v63  }
0xe4: {  	_ = 	snop  }
0xe5: {  	[tilespmem:s20], [sflag:$0x1] =	stream.indirect_vreg.gather [hbm4b:s11+s31], $0x80, v3, vm0, $0xb8;
	[tilespmem:$0x18200] =	vst v63  }
0xe6: {  	v3 =	vld [tilespmem:$0xB0];
	_ =	sdelay $0x4  }
0xe7: {  	v63 =	vshll.u32 v3, $0x3  }
0xe8: {  	v3 =	vand.u32 $0x7, v3;
	v4 =	vand.u32 $0xFFFFFFC0, v63  }
0xe9: {  	v3 =	vor.u32 v3, v4  }
0xea: {  	v4 =	vperm.xlane v3, v0;
	_ =	sdelay $0x1  }
0xeb: {  	v4 =	vadd.s32 v1, v4;
	_ =	sdelay $0x4  }
0xec: {  	[tilespmem:s21], [sflag:$0x1] =	stream.indirect_vreg.gather [hbm4b:s2+s31], $0x80, v4, vm0, $0xb8;
	[tilespmem:$0x18200] =	vst v63  }
0xed: {  	v3 =	vperm.xlane v3, v2  }
0xee: {  	[tilespmem:s22], [sflag:$0x1] =	stream.indirect_vreg.gather [hbm4b:s8+s31], $0x80, v4, vm0, $0xb8;
	[tilespmem:$0x18200] =	vst v63  }
0xef: {  	v3 =	vadd.s32 v1, v3  }
0xf0: {  	[tilespmem:s23], [sflag:$0x1] =	stream.indirect_vreg.gather [hbm4b:s9+s31], $0x80, v4, vm0, $0xb8;
	[tilespmem:$0x18200] =	vst v63  }
0xf1: {  	_ = 	snop  }
0xf2: {  	[tilespmem:s24], [sflag:$0x1] =	stream.indirect_vreg.gather [hbm4b:s11+s31], $0x80, v4, vm0, $0xb8;
	[tilespmem:$0x18200] =	vst v63  }
0xf3: {  	_ = 	snop  }
0xf4: {  	[tilespmem:s25], [sflag:$0x1] =	stream.indirect_vreg.gather [hbm4b:s2+s31], $0x80, v3, vm0, $0xb8;
	[tilespmem:$0x18200] =	vst v63  }
0xf5: {  	_ = 	snop  }
0xf6: {  	[tilespmem:s26], [sflag:$0x1] =	stream.indirect_vreg.gather [hbm4b:s8+s31], $0x80, v3, vm0, $0xb8;
	[tilespmem:$0x18200] =	vst v63  }
0xf7: {  	_ = 	snop  }
0xf8: {  	[tilespmem:s10], [sflag:$0x1] =	stream.indirect_vreg.gather [hbm4b:s9+s31], $0x80, v3, vm0, $0xb8;
	[tilespmem:$0x18200] =	vst v63  }
0xf9: {  	_ = 	snop  }
0xfa: {  	[tilespmem:s28], [sflag:$0x1] =	stream.indirect_vreg.gather [hbm4b:s11+s31], $0x80, v3, vm0, $0xb8;
	[tilespmem:$0x18200] =	vst v63  }
0xfb: {  	_ =	swait.ge [sflag:s4], $0x8000  }
0xfc: {  	[sflag:s4] =	ssyncset.done $0x0  }
0xfd: {  	s1 =	simm.s32 $0x0;
	[sflag:s4] =	ssyncadd.s32 $0xFFFF8000  }
.LBB2_6:
0xfe: {  	s0 =	sor.u32 $0x20, s1;
	s6 =	sshll.u32 s1, $0xA;
	s5 =	sshll.u32 s1, $0x7  }
0xff: {  	v4 =	vmov s0;
	s0 =	sand.u32 $0x6000, s6;
	s5 =	sand.u32 $0x380, s5  }
0x100: {  	s7 =	sand.u32 $0x1C00, s31;
	s0 =	sor.u32 s0, s5  }
0x101: {  	s6 =	sand.u32 $0x70, s31;
	s5 =	sor.u32 s7, s0  }
0x102: {  	s15 =	sor.u32 s6, s5  }
0x103: {  	v5 =	vld [tilespmem:s15+$0x200]  }
0x104: {  	v6 =	vld [tilespmem:s15+$0x8200]  }
0x105: {  	v3 =	vld.idx.msk [tilespmem:v4+s16+$0x0], $0xffff  }
0x106: {  	v4 =	vld.idx.msk [tilespmem:v4+s17+$0x0], $0xffff  }
0x107: {  	s12 =	simm.s32 $0x80  }
0x108: {  	s18 =	simm.s32 $0x10;
	s5 =	sand.u32 $0x1C00, s12  }
0x109: {  	s6 =	sand.u32 $0x70, s18;
	s5 =	sor.u32 s5, s0  }
0x10a: {  	s5 =	sor.u32 s6, s5  }
0x10b: {  	v7 =	vmul.f32 v5, v3;
	v8 =	vmul.f32 v6, v4;
	v5 =	vld [tilespmem:s5+$0x200]  }
0x10c: {  	v6 =	vld [tilespmem:s5+$0x8200]  }
0x10d: {  	s7 =	simm.s32 $0x100;
	s6 =	simm.s32 $0x20;
	v7 =	vadd.f32 v8, v7  }
.LBB2_7:
0x10e: {  	s12 =	sand.u32 $0x70, s6;
	s18 =	sand.u32 $0x1C00, s7;
	p0 =	sne.s32 s6, $0x3F0  }
.Ltmp2:
0x10f: {  	s6 =	sadd.s32 $0x10, s6;
	s18 =	sor.u32 s18, s0;
	[tilespmem:s15+$0x10200] =	vst v7;
	(pc) =	sbr.rel @p0 .LBB2_7-.Ltmp2, $4  }
0x110: {  	s15 =	smov.u32 s5;
	s5 =	sor.u32 s12, s18  }
0x111: {  	v7 =	vmul.f32 v5, v3;
	v5 =	vld [tilespmem:s5+$0x200];
	v8 =	vmul.f32 v6, v4  }
0x112: {  	v6 =	vld [tilespmem:s5+$0x8200]  }
0x113: {  	s7 =	sadd.s32 $0x80, s7;
	v7 =	vadd.f32 v8, v7  }
0x114: {  	_ = 	snop  }
0x115: {  	s1 =	sadd.s32 $0x1, s1  }
0x116: {  	p0 =	sne.s32 s1, $0x20  }
.Ltmp3:
0x117: {  	v3 =	vmul.f32 v5, v3;
	v4 =	vmul.f32 v6, v4;
	(pc) =	sbr.rel @p0 .LBB2_6-.Ltmp3, $4  }
0x118: {  	_ = 	snop  }
0x119: {  	v3 =	vadd.f32 v4, v3  }
0x11a: {  	[tilespmem:s15+$0x10200] =	vst v7  }
0x11b: {  	[tilespmem:s5+$0x10200] =	vst v3  }
0x11c: {  	s0 =	rddreg [dreg:$0x8]  }
0x11d: {  	[hbm4b:s0+s3] =	stream.linear.scatter [tilespmem:s29], [sflag:$0x2], $0x8000, $0x38;
	[tilespmem:$0x18200] =	vst v63  }
0x11e: {  	_ =	swait.ge [sflag:s14], $0x8000  }
0x11f: {  	s30 =	sadd.s32 $0x1, s30;
	s31 =	rddreg [dreg:$0x9]  }
0x120: {  	p0 =	sne.s32 s30, s31  }
.Ltmp4:
0x121: {  	_ = 	snop;
	(pc) =	sbr.rel @p0 .LBB2_1-.Ltmp4, $3  }
0x122: {  	_ =	sdelay $0x1  }
0x123: {  	[sflag:s14] =	ssyncset.done $0x0  }
0x124: {  	s18 =	simm.s32 $0x200;
	[sflag:s14] =	ssyncadd.s32 $0xFFFF8000  }
0x125: {  	_ =	sfence.sel $0x180000  }
0x126: {  	[bflag:$0x0] =	sbarrier.arrive $0xFFFF  }
0x127: {  	_ =	strace $0x9000004A  }
0x128: {  	s0 =	stileid.u32;
	[bflag:$0x2] =	sbarrier.arrive $0xFFFF  }
0x129: {  	p0 =	sne.s32 s0, $0x0;
	s0 =	rddreg [dreg:$0x2]  }
0x12a: {  	s0 =	sadd.s32 @!p0 $0x100000, s0  }
0x12b: {  	[sflag:s0] =	ssyncadd.tile.s32 @!p0 $0x1;
	_ =	shalt  }
.Lfunc_end2:
_tile_overlayer_lowered:
.L_overlay_start_2:
0x12c: {  	(tag) =	ssettag $0x2  }
0x12d: {  	s0 =	rddreg [dreg:$0x0];
	s2 =	stileid.u32  }
0x12e: {  	s1 =	rddreg [dreg:$0x1];
	p0 =	sne.s32 s2, $0x0  }
0x12f: {  	s3 =	rddreg [dreg:$0x2];
	[bflag:$0x3] =	sbarrier.arrive $0xFFFF;
	s2 =	simm.s32 @!p0 $0x1C02  }
0x130: {  	[timem:s3], [sflag:s2] =	dma.local @!p0 [hbm:s0], s1  }
0x131: {  	s0 =	simm.s32 @!p0 $0x2  }
0x132: {  	_ =	swait.ge @!p0 [sflag:s0], s1  }
0x133: {  	s1 =	ssub.s32 @!p0 $0x0, s1;
	[sflag:s0] =	ssyncset.done @!p0 $0x0  }
0x134: {  	[sflag:s0] =	ssyncadd.s32 @!p0 s1  }
0x135: {  	[bflag:$0x3] =	sbarrier.arrive $0xFFFF  }
0x136: {  	_ =	shalt  }

</sc_bundles>
